<compile_context>
chip_gen: v7x
topology: tpu7x:2x2x1
jax: 0.10.2.dev20260603
libtpu: 0.0.44.dev20260713+nightly
codegen_flags: <defaults>
</compile_context>

<pallas_src>
import functools

import jax
import jax.numpy as jnp
from jax import lax
from jax.experimental import pallas as pl
from jax.experimental.pallas import tpu as pltpu
from jax.experimental.pallas import tpu_sc as plsc

N_NODES = 10000
D = 128
N_EDGES = 320000
EPS = 1e-5

_R = 2000
_G = N_NODES // _R

_NC = 2
_NS = 16
_CH = 128
_CPT = 80
_NP = _CPT // 2
_NCHUNK = _CPT * _NC * _NS
_EPAD = _NCHUNK * _CH
_NPAD = 10240
_RPT = _NPAD // _NS
_ZB = 128


def _fc1_body(x_ref, w_ref, b_ref, h0_ref, st_ref):
    i = pl.program_id(0)
    h0 = jnp.dot(x_ref[...], w_ref[...], preferred_element_type=jnp.float32)
    h0 = h0 + b_ref[...]
    h0_ref[...] = h0

    @pl.when(i == 0)
    def _():
        st_ref[...] = jnp.zeros_like(st_ref)

    st_ref[0:1, :] += jnp.sum(h0, axis=0, keepdims=True)
    st_ref[1:2, :] += jnp.sum(h0 * h0, axis=0, keepdims=True)


def _proj_body(h0_ref, st_ref, g_ref, be_ref, wr_ref, wn_ref, bgc_ref,
               hr_ref, m_ref):
    st = st_ref[...]
    mean = st[0:1, :] * (1.0 / N_NODES)
    var = st[1:2, :] * (1.0 / N_NODES) - mean * mean
    a = g_ref[...] * lax.rsqrt(var + EPS)
    c = be_ref[...] - mean * a
    h = h0_ref[...] * a + c
    hr_ref[...] = jnp.dot(h, wr_ref[...],
                          preferred_element_type=jnp.float32) + bgc_ref[...]
    m_ref[...] = jnp.dot(h, wn_ref[...], preferred_element_type=jnp.float32)


def _gc_body(hr_ref, a0_ref, a1_ref, w2_ref, b2_ref, t_ref, st_ref):
    i = pl.program_id(0)
    gc = hr_ref[...] + a0_ref[0] + a1_ref[0]
    g = gc * 0.5 * (1.0 + lax.erf(gc * 0.7071067811865476))
    t = jnp.dot(g, w2_ref[...], preferred_element_type=jnp.float32) + b2_ref[...]
    t_ref[...] = t

    @pl.when(i == 0)
    def _():
        st_ref[...] = jnp.zeros_like(st_ref)

    st_ref[0:1, :] += jnp.sum(t, axis=0, keepdims=True)
    st_ref[1:2, :] += jnp.sum(t * t, axis=0, keepdims=True)


def _fin_body(t_ref, st_ref, g_ref, be_ref, x_ref, o_ref):
    st = st_ref[...]
    mean = st[0:1, :] * (1.0 / N_NODES)
    var = st[1:2, :] * (1.0 / N_NODES) - mean * mean
    a = g_ref[...] * lax.rsqrt(var + EPS)
    c = be_ref[...] - mean * a
    o_ref[...] = t_ref[...] * a + c + x_ref[...]


_row_spec = pl.BlockSpec((_R, D), lambda i: (i, 0))
_full_spec = pl.BlockSpec((D, D), lambda i: (0, 0))
_vec_spec = pl.BlockSpec((1, D), lambda i: (0, 0))
_st_spec = pl.BlockSpec((8, D), lambda i: (0, 0))
_rows_out = jax.ShapeDtypeStruct((N_NODES, D), jnp.float32)
_st_out = jax.ShapeDtypeStruct((8, D), jnp.float32)


_fc1 = pl.pallas_call(
    _fc1_body, grid=(_G,),
    in_specs=[_row_spec, _full_spec, _vec_spec],
    out_specs=[_row_spec, _st_spec],
    out_shape=[_rows_out, _st_out],
)

_proj = pl.pallas_call(
    _proj_body, grid=(_G,),
    in_specs=[_row_spec, _st_spec, _vec_spec, _vec_spec, _full_spec,
              _full_spec, _vec_spec],
    out_specs=[_row_spec, _row_spec],
    out_shape=[_rows_out, _rows_out],
)

_gc = pl.pallas_call(
    _gc_body, grid=(_G,),
    in_specs=[_row_spec,
              pl.BlockSpec((1, _R, D), lambda i: (0, i, 0)),
              pl.BlockSpec((1, _R, D), lambda i: (1, i, 0)),
              _full_spec, _vec_spec],
    out_specs=[_row_spec, _st_spec],
    out_shape=[_rows_out, _st_out],
)

_fin = pl.pallas_call(
    _fin_body, grid=(_G,),
    in_specs=[_row_spec, _st_spec, _vec_spec, _vec_spec, _row_spec],
    out_specs=_row_spec,
    out_shape=_rows_out,
)


def _sc_body(m_hbm, src_hbm, dst_hbm, out_hbm,
             sa0, da0, sa1, da1, sb0, db0, sb1, db1, rows, zbuf,
             agg_sh, gsem, gsem1, isem):
    cid = lax.axis_index("c")
    sid = lax.axis_index("s")
    wid = cid * _NS + sid
    base = wid * (_CPT * _CH)
    row0 = sid * _RPT

    def _ld(p, s0, d0, s1, d1):
        e0 = base + 2 * p * _CH
        pltpu.make_async_copy(src_hbm.at[pl.ds(e0, _CH)], s0, isem).start()
        pltpu.make_async_copy(dst_hbm.at[pl.ds(e0, _CH)], d0, isem).start()
        pltpu.make_async_copy(
            src_hbm.at[pl.ds(e0 + _CH, _CH)], s1, isem).start()
        pltpu.make_async_copy(
            dst_hbm.at[pl.ds(e0 + _CH, _CH)], d1, isem).start()

    def _ldwait(p, s0, d0, s1, d1):
        e0 = base + 2 * p * _CH
        pltpu.make_async_copy(src_hbm.at[pl.ds(e0, _CH)], s0, isem).wait()
        pltpu.make_async_copy(dst_hbm.at[pl.ds(e0, _CH)], d0, isem).wait()
        pltpu.make_async_copy(
            src_hbm.at[pl.ds(e0 + _CH, _CH)], s1, isem).wait()
        pltpu.make_async_copy(
            dst_hbm.at[pl.ds(e0 + _CH, _CH)], d1, isem).wait()

    def _g(s_ref, r_ref, sem):
        return pltpu.make_async_copy(m_hbm.at[s_ref], r_ref, sem)

    def _s(d_ref, r_ref):
        pltpu.sync_copy(r_ref, agg_sh.at[d_ref], add=True)

    _ld(0, sa0, da0, sa1, da1)

    z16 = jnp.zeros((16,), jnp.float32)

    def _zrow(r, carry):
        for j in range(D // 16):
            zbuf[r, pl.ds(j * 16, 16)] = z16
        return carry

    lax.fori_loop(0, _ZB, _zrow, 0)

    _ldwait(0, sa0, da0, sa1, da1)
    _g(sa0, rows, gsem).start()
    _ld(1, sb0, db0, sb1, db1)

    for t in range(_RPT // _ZB):
        pltpu.make_async_copy(
            zbuf, agg_sh.at[pl.ds(row0 + t * _ZB, _ZB)], gsem1).start()
    for t in range(_RPT // _ZB):
        pltpu.make_async_copy(
            zbuf, agg_sh.at[pl.ds(row0 + t * _ZB, _ZB)], gsem1).wait()
    plsc.subcore_barrier()

    _g(sa1, zbuf, gsem1).start()

    def _pbody(p, cs0, cd0, cs1, cd1, ns0, nd0, ns1, nd1):
        _g(cs0, rows, gsem).wait()
        _s(cd0, rows)

        @pl.when(p + 1 < _NP)
        def _():
            _ldwait(p + 1, ns0, nd0, ns1, nd1)
            _g(ns0, rows, gsem).start()

        _g(cs1, zbuf, gsem1).wait()
        _s(cd1, zbuf)

        @pl.when(p + 1 < _NP)
        def _():
            _g(ns1, zbuf, gsem1).start()

        @pl.when(p + 2 < _NP)
        def _():
            _ld(p + 2, cs0, cd0, cs1, cd1)

    def _pair(p, carry):
        @pl.when(p % 2 == 0)
        def _():
            _pbody(p, sa0, da0, sa1, da1, sb0, db0, sb1, db1)

        @pl.when(p % 2 == 1)
        def _():
            _pbody(p, sb0, db0, sb1, db1, sa0, da0, sa1, da1)

        return carry

    lax.fori_loop(0, _NP, _pair, 0)

    plsc.subcore_barrier()

    for t in range(_RPT // _ZB):
        r0 = row0 + t * _ZB
        pltpu.make_async_copy(agg_sh.at[pl.ds(r0, _ZB)],
                              out_hbm.at[cid, pl.ds(r0, _ZB)], gsem).start()
    for t in range(_RPT // _ZB):
        r0 = row0 + t * _ZB
        pltpu.make_async_copy(agg_sh.at[pl.ds(r0, _ZB)],
                              out_hbm.at[cid, pl.ds(r0, _ZB)], gsem).wait()


@functools.cache
def _make_segsum():
    return functools.partial(
        pl.kernel,
        mesh=plsc.VectorSubcoreMesh(core_axis_name="c", subcore_axis_name="s"),
        out_type=jax.ShapeDtypeStruct((_NC, _NPAD, D), jnp.float32),
        scratch_types=[
            pltpu.VMEM((_CH,), jnp.int32),
            pltpu.VMEM((_CH,), jnp.int32),
            pltpu.VMEM((_CH,), jnp.int32),
            pltpu.VMEM((_CH,), jnp.int32),
            pltpu.VMEM((_CH,), jnp.int32),
            pltpu.VMEM((_CH,), jnp.int32),
            pltpu.VMEM((_CH,), jnp.int32),
            pltpu.VMEM((_CH,), jnp.int32),
            pltpu.VMEM((_CH, D), jnp.float32),
            pltpu.VMEM((_CH, D), jnp.float32),
            pltpu.VMEM_SHARED((_NPAD, D), jnp.float32),
            pltpu.SemaphoreType.DMA,
            pltpu.SemaphoreType.DMA,
            pltpu.SemaphoreType.DMA,
        ],
    )(_sc_body)


def kernel(x, edge_index, W1, b1, g1, be1, Wr, Wn, bgc, W2, b2, g2, be2):
    ei = edge_index.astype(jnp.int32)
    npad = _EPAD - N_EDGES

    src = jnp.concatenate([ei[0], jnp.zeros((npad,), jnp.int32)])
    pad_dst = N_NODES + jnp.arange(npad, dtype=jnp.int32) % (_NPAD - N_NODES)
    dst = jnp.concatenate([ei[1], pad_dst])
    b1r = b1.reshape(1, D)
    g1r = g1.reshape(1, D)
    be1r = be1.reshape(1, D)
    bgcr = bgc.reshape(1, D)
    b2r = b2.reshape(1, D)
    g2r = g2.reshape(1, D)
    be2r = be2.reshape(1, D)

    h0, st1 = _fc1(x, W1, b1r)
    hr, m = _proj(h0, st1, g1r, be1r, Wr, Wn, bgcr)
    aggp = _make_segsum()(m, src, dst)
    t, st2 = _gc(hr, aggp, aggp, W2, b2r)
    return _fin(t, st2, g2r, be2r, x)

# --- scband reference (transcript-rebuilt; emitter-appended) ---
"""Pipeline reference for scband-grapher-22814866276969 (READ-ONLY COPY).

The authoritative reference and input builder live on the scoring server;
editing this copy changes nothing except your own understanding.
"""

import jax, jax.numpy as jnp
import numpy as np

N_NODES = 10000
IN_SIZE = 128
HIDDEN = 128
N_EDGES = 320000
EPS = 1e-5


def _bn(h, gamma, beta):
    mean = jnp.mean(h, axis=0)
    var = jnp.var(h, axis=0)  # biased, matches torch BN normalization
    return (h - mean) / jnp.sqrt(var + EPS) * gamma + beta


def setup_inputs(seed: int = 0) -> dict:
    key = jax.random.key(seed)
    ks = jax.random.split(key, 12)
    s_in = 1.0 / np.sqrt(IN_SIZE)
    s_h = 1.0 / np.sqrt(HIDDEN)
    x = jax.random.normal(ks[0], (N_NODES, IN_SIZE), dtype=jnp.float32)
    edge_index = jax.random.randint(ks[1], (2, N_EDGES), 0, N_NODES, dtype=jnp.int64)
    W1 = jax.random.normal(ks[2], (IN_SIZE, HIDDEN), dtype=jnp.float32) * s_in
    b1 = jnp.zeros((HIDDEN,), dtype=jnp.float32)
    g1 = jnp.ones((HIDDEN,), dtype=jnp.float32)
    be1 = jnp.zeros((HIDDEN,), dtype=jnp.float32)
    Wr = jax.random.normal(ks[3], (HIDDEN, HIDDEN), dtype=jnp.float32) * s_h
    Wn = jax.random.normal(ks[4], (HIDDEN, HIDDEN), dtype=jnp.float32) * s_h
    bgc = jnp.zeros((HIDDEN,), dtype=jnp.float32)
    W2 = jax.random.normal(ks[5], (HIDDEN, IN_SIZE), dtype=jnp.float32) * s_h
    b2 = jnp.zeros((IN_SIZE,), dtype=jnp.float32)
    g2 = jnp.ones((IN_SIZE,), dtype=jnp.float32)
    be2 = jnp.zeros((IN_SIZE,), dtype=jnp.float32)
    return {"x": x, "edge_index": edge_index, "W1": W1, "b1": b1, "g1": g1, "be1": be1,
            "Wr": Wr, "Wn": Wn, "bgc": bgc, "W2": W2, "b2": b2, "g2": g2, "be2": be2}


def reference(x, edge_index, W1, b1, g1, be1, Wr, Wn, bgc, W2, b2, g2, be2):
    src = edge_index[0]
    dst = edge_index[1]
    # fc1: Linear + BatchNorm1d (training-mode batch stats)
    h = x @ W1 + b1
    h = _bn(h, g1, be1)
    # GraphConv: root transform + sum-aggregated neighbor transform
    msg = jnp.take(h, src, axis=0)
    agg = jax.ops.segment_sum(msg, dst, num_segments=N_NODES)
    gc = h @ Wr + agg @ Wn + bgc
    h = jax.nn.gelu(gc, approximate=False)
    # fc2: Linear + BatchNorm1d
    h = h @ W2 + b2
    h = _bn(h, g2, be2)
    # residual
    return h + x

if __name__ == "__main__":
    import jax
    _d = setup_inputs()
    print(jax.jit(kernel)(*tuple(_d.values())))

</pallas_src>

<mosaic_0001>
#map = affine_map<(d0, d1) -> (0, 0)>
#map1 = affine_map<(d0, d1) -> (0)>
#map2 = affine_map<(d0, d1) -> (0, 0, 0)>
module attributes {stable_mosaic.version = 14 : i64} {
  func.func @_sc_body(%arg0: i32, %arg1: i32, %arg2: memref<10000x128xf32, #tpu.memory_space<hbm>>, %arg3: memref<327680xi32, #tpu.memory_space<hbm>>, %arg4: memref<327680xi32, #tpu.memory_space<hbm>>, %arg5: memref<2x10240x128xf32, #tpu.memory_space<hbm>>, %arg6: memref<128xi32, #tpu.memory_space<vmem>>, %arg7: memref<128xi32, #tpu.memory_space<vmem>>, %arg8: memref<128xi32, #tpu.memory_space<vmem>>, %arg9: memref<128xi32, #tpu.memory_space<vmem>>, %arg10: memref<128xi32, #tpu.memory_space<vmem>>, %arg11: memref<128xi32, #tpu.memory_space<vmem>>, %arg12: memref<128xi32, #tpu.memory_space<vmem>>, %arg13: memref<128xi32, #tpu.memory_space<vmem>>, %arg14: memref<128x128xf32, #tpu.memory_space<vmem>>, %arg15: memref<128x128xf32, #tpu.memory_space<vmem>>, %arg16: memref<10240x128xf32, #tpu.memory_space<vmem_shared>>, %arg17: memref<!tpu.dma_semaphore, #tpu.memory_space<semaphore_mem>>, %arg18: memref<!tpu.dma_semaphore, #tpu.memory_space<semaphore_mem>>, %arg19: memref<!tpu.dma_semaphore, #tpu.memory_space<semaphore_mem>>) attributes {dimension_semantics = [#tpu.dimension_semantics<core_parallel>, #tpu.dimension_semantics<subcore_parallel>], iteration_bounds = array<i64: 2, 16>, scalar_prefetch = 0 : i64, scratch_operands = 14 : i64, tpu.core_type = #tpu.core_type<sc_vector_subcore>, window_params = [{transform_indices = #map}, {transform_indices = #map1}, {transform_indices = #map1}, {transform_indices = #map2}]} {
    %mul3A = arith.constant 16 : i32
    %mul3A_0 = arith.muli %arg0, %mul3A : i32
    %add3A = arith.addi %mul3A_0, %arg1 : i32
    %mul3A_1 = arith.constant 10240 : i32
    %mul3A_2 = arith.muli %add3A, %mul3A_1 : i32
    %mul3A_3 = arith.constant 640 : i32
    %mul3A_4 = arith.muli %arg1, %mul3A_3 : i32
    %add3A_5 = arith.constant 0 : i32
    %add3A_6 = arith.addi %mul3A_2, %add3A_5 : i32
    %dma_start3A = tpu.memref_slice %arg3[%add3A_6] : memref<327680xi32, #tpu.memory_space<hbm>> -> memref<128xi32, #tpu.memory_space<hbm>>
    %dma_start3A_7 = tpu.memref_slice %arg3[%add3A_6] : memref<327680xi32, #tpu.memory_space<hbm>> -> memref<128xi32, #tpu.memory_space<hbm>>
    tpu.enqueue_dma source(%dma_start3A_7 : memref<128xi32, #tpu.memory_space<hbm>>) target(%arg6 : memref<128xi32, #tpu.memory_space<vmem>>) target_semaphore(%arg19 : memref<!tpu.dma_semaphore, #tpu.memory_space<semaphore_mem>>)
    %dma_start3A_8 = tpu.memref_slice %arg4[%add3A_6] : memref<327680xi32, #tpu.memory_space<hbm>> -> memref<128xi32, #tpu.memory_space<hbm>>
    %dma_start3A_9 = tpu.memref_slice %arg4[%add3A_6] : memref<327680xi32, #tpu.memory_space<hbm>> -> memref<128xi32, #tpu.memory_space<hbm>>
    tpu.enqueue_dma source(%dma_start3A_9 : memref<128xi32, #tpu.memory_space<hbm>>) target(%arg7 : memref<128xi32, #tpu.memory_space<vmem>>) target_semaphore(%arg19 : memref<!tpu.dma_semaphore, #tpu.memory_space<semaphore_mem>>)
    %add3A_10 = arith.constant 128 : i32
    %add3A_11 = arith.addi %add3A_6, %add3A_10 : i32
    %dma_start3A_12 = tpu.memref_slice %arg3[%add3A_11] : memref<327680xi32, #tpu.memory_space<hbm>> -> memref<128xi32, #tpu.memory_space<hbm>>
    %dma_start3A_13 = tpu.memref_slice %arg3[%add3A_11] : memref<327680xi32, #tpu.memory_space<hbm>> -> memref<128xi32, #tpu.memory_space<hbm>>
    tpu.enqueue_dma source(%dma_start3A_13 : memref<128xi32, #tpu.memory_space<hbm>>) target(%arg8 : memref<128xi32, #tpu.memory_space<vmem>>) target_semaphore(%arg19 : memref<!tpu.dma_semaphore, #tpu.memory_space<semaphore_mem>>)
    %add3A_14 = arith.constant 128 : i32
    %add3A_15 = arith.addi %add3A_6, %add3A_14 : i32
    %dma_start3A_16 = tpu.memref_slice %arg4[%add3A_15] : memref<327680xi32, #tpu.memory_space<hbm>> -> memref<128xi32, #tpu.memory_space<hbm>>
    %dma_start3A_17 = tpu.memref_slice %arg4[%add3A_15] : memref<327680xi32, #tpu.memory_space<hbm>> -> memref<128xi32, #tpu.memory_space<hbm>>
    tpu.enqueue_dma source(%dma_start3A_17 : memref<128xi32, #tpu.memory_space<hbm>>) target(%arg9 : memref<128xi32, #tpu.memory_space<vmem>>) target_semaphore(%arg19 : memref<!tpu.dma_semaphore, #tpu.memory_space<semaphore_mem>>)
    %broadcast_in_dim3A = arith.constant 0.000000e+00 : f32
    %broadcast_in_dim3A_18 = vector.broadcast %broadcast_in_dim3A : f32 to vector<16xf32>
    %scan3A = arith.constant 0 : i32
    %scan3A_19 = arith.constant 0 : i32
    %scan3A_20 = arith.constant 128 : i32
    %scan3A_21 = arith.addi %scan3A_19, %scan3A_20 : i32
    %scan3A_22 = arith.constant 1 : i32
    scf.for %scan3A_194 = %scan3A_19 to %scan3A_21 step %scan3A_22  : i32 {
      %swap3A = arith.index_cast %scan3A_194 : i32 to index
      %swap3A_195 = arith.constant 0 : index
      %swap3A_196 = tpu.vector_load %arg15[%swap3A, %swap3A_195] {strides = array<i32>} : memref<128x128xf32, #tpu.memory_space<vmem>>, vector<1x16xf32>,
      %swap3A_197 = vector.shape_cast %swap3A_196 : vector<1x16xf32> to vector<16xf32>
      %swap3A_198 = vector.shape_cast %broadcast_in_dim3A_18 : vector<16xf32> to vector<1x16xf32>
      tpu.vector_store %arg15[%swap3A, %swap3A_195], %swap3A_198 {strides = array<i32>} : memref<128x128xf32, #tpu.memory_space<vmem>>, vector<1x16xf32>,
      %swap3A_199 = arith.index_cast %scan3A_194 : i32 to index
      %swap3A_200 = arith.constant 16 : index
      %swap3A_201 = tpu.vector_load %arg15[%swap3A_199, %swap3A_200] {strides = array<i32>} : memref<128x128xf32, #tpu.memory_space<vmem>>, vector<1x16xf32>,
      %swap3A_202 = vector.shape_cast %swap3A_201 : vector<1x16xf32> to vector<16xf32>
      %swap3A_203 = vector.shape_cast %broadcast_in_dim3A_18 : vector<16xf32> to vector<1x16xf32>
      tpu.vector_store %arg15[%swap3A_199, %swap3A_200], %swap3A_203 {strides = array<i32>} : memref<128x128xf32, #tpu.memory_space<vmem>>, vector<1x16xf32>,
      %swap3A_204 = arith.index_cast %scan3A_194 : i32 to index
      %swap3A_205 = arith.constant 32 : index
      %swap3A_206 = tpu.vector_load %arg15[%swap3A_204, %swap3A_205] {strides = array<i32>} : memref<128x128xf32, #tpu.memory_space<vmem>>, vector<1x16xf32>,
      %swap3A_207 = vector.shape_cast %swap3A_206 : vector<1x16xf32> to vector<16xf32>
      %swap3A_208 = vector.shape_cast %broadcast_in_dim3A_18 : vector<16xf32> to vector<1x16xf32>
      tpu.vector_store %arg15[%swap3A_204, %swap3A_205], %swap3A_208 {strides = array<i32>} : memref<128x128xf32, #tpu.memory_space<vmem>>, vector<1x16xf32>,
      %swap3A_209 = arith.index_cast %scan3A_194 : i32 to index
      %swap3A_210 = arith.constant 48 : index
      %swap3A_211 = tpu.vector_load %arg15[%swap3A_209, %swap3A_210] {strides = array<i32>} : memref<128x128xf32, #tpu.memory_space<vmem>>, vector<1x16xf32>,
      %swap3A_212 = vector.shape_cast %swap3A_211 : vector<1x16xf32> to vector<16xf32>
      %swap3A_213 = vector.shape_cast %broadcast_in_dim3A_18 : vector<16xf32> to vector<1x16xf32>
      tpu.vector_store %arg15[%swap3A_209, %swap3A_210], %swap3A_213 {strides = array<i32>} : memref<128x128xf32, #tpu.memory_space<vmem>>, vector<1x16xf32>,
      %swap3A_214 = arith.index_cast %scan3A_194 : i32 to index
      %swap3A_215 = arith.constant 64 : index
      %swap3A_216 = tpu.vector_load %arg15[%swap3A_214, %swap3A_215] {strides = array<i32>} : memref<128x128xf32, #tpu.memory_space<vmem>>, vector<1x16xf32>,
      %swap3A_217 = vector.shape_cast %swap3A_216 : vector<1x16xf32> to vector<16xf32>
      %swap3A_218 = vector.shape_cast %broadcast_in_dim3A_18 : vector<16xf32> to vector<1x16xf32>
      tpu.vector_store %arg15[%swap3A_214, %swap3A_215], %swap3A_218 {strides = array<i32>} : memref<128x128xf32, #tpu.memory_space<vmem>>, vector<1x16xf32>,
      %swap3A_219 = arith.index_cast %scan3A_194 : i32 to index
      %swap3A_220 = arith.constant 80 : index
      %swap3A_221 = tpu.vector_load %arg15[%swap3A_219, %swap3A_220] {strides = array<i32>} : memref<128x128xf32, #tpu.memory_space<vmem>>, vector<1x16xf32>,
      %swap3A_222 = vector.shape_cast %swap3A_221 : vector<1x16xf32> to vector<16xf32>
      %swap3A_223 = vector.shape_cast %broadcast_in_dim3A_18 : vector<16xf32> to vector<1x16xf32>
      tpu.vector_store %arg15[%swap3A_219, %swap3A_220], %swap3A_223 {strides = array<i32>} : memref<128x128xf32, #tpu.memory_space<vmem>>, vector<1x16xf32>,
      %swap3A_224 = arith.index_cast %scan3A_194 : i32 to index
      %swap3A_225 = arith.constant 96 : index
      %swap3A_226 = tpu.vector_load %arg15[%swap3A_224, %swap3A_225] {strides = array<i32>} : memref<128x128xf32, #tpu.memory_space<vmem>>, vector<1x16xf32>,
      %swap3A_227 = vector.shape_cast %swap3A_226 : vector<1x16xf32> to vector<16xf32>
      %swap3A_228 = vector.shape_cast %broadcast_in_dim3A_18 : vector<16xf32> to vector<1x16xf32>
      tpu.vector_store %arg15[%swap3A_224, %swap3A_225], %swap3A_228 {strides = array<i32>} : memref<128x128xf32, #tpu.memory_space<vmem>>, vector<1x16xf32>,
      %swap3A_229 = arith.index_cast %scan3A_194 : i32 to index
      %swap3A_230 = arith.constant 112 : index
      %swap3A_231 = tpu.vector_load %arg15[%swap3A_229, %swap3A_230] {strides = array<i32>} : memref<128x128xf32, #tpu.memory_space<vmem>>, vector<1x16xf32>,
      %swap3A_232 = vector.shape_cast %swap3A_231 : vector<1x16xf32> to vector<16xf32>
      %swap3A_233 = vector.shape_cast %broadcast_in_dim3A_18 : vector<16xf32> to vector<1x16xf32>
      tpu.vector_store %arg15[%swap3A_229, %swap3A_230], %swap3A_233 {strides = array<i32>} : memref<128x128xf32, #tpu.memory_space<vmem>>, vector<1x16xf32>,
    }
    %scan3A_23 = arith.constant 128 : i32
    %add3A_24 = arith.constant 0 : i32
    %add3A_25 = arith.addi %mul3A_2, %add3A_24 : i32
    %dma_wait3A = tpu.memref_slice %arg3[%add3A_25] : memref<327680xi32, #tpu.memory_space<hbm>> -> memref<128xi32, #tpu.memory_space<hbm>>
    %dma_wait3A_26 = tpu.memref_slice %arg3[%add3A_25] : memref<327680xi32, #tpu.memory_space<hbm>> -> memref<128xi32, #tpu.memory_space<hbm>>
    tpu.wait_dma2 semaphore(%arg19 : memref<!tpu.dma_semaphore, #tpu.memory_space<semaphore_mem>>) src(%dma_wait3A_26 : memref<128xi32, #tpu.memory_space<hbm>>) dst(%arg6 : memref<128xi32, #tpu.memory_space<vmem>>)
    %dma_wait3A_27 = tpu.memref_slice %arg4[%add3A_25] : memref<327680xi32, #tpu.memory_space<hbm>> -> memref<128xi32, #tpu.memory_space<hbm>>
    %dma_wait3A_28 = tpu.memref_slice %arg4[%add3A_25] : memref<327680xi32, #tpu.memory_space<hbm>> -> memref<128xi32, #tpu.memory_space<hbm>>
    tpu.wait_dma2 semaphore(%arg19 : memref<!tpu.dma_semaphore, #tpu.memory_space<semaphore_mem>>) src(%dma_wait3A_28 : memref<128xi32, #tpu.memory_space<hbm>>) dst(%arg7 : memref<128xi32, #tpu.memory_space<vmem>>)
    %add3A_29 = arith.constant 128 : i32
    %add3A_30 = arith.addi %add3A_25, %add3A_29 : i32
    %dma_wait3A_31 = tpu.memref_slice %arg3[%add3A_30] : memref<327680xi32, #tpu.memory_space<hbm>> -> memref<128xi32, #tpu.memory_space<hbm>>
    %dma_wait3A_32 = tpu.memref_slice %arg3[%add3A_30] : memref<327680xi32, #tpu.memory_space<hbm>> -> memref<128xi32, #tpu.memory_space<hbm>>
    tpu.wait_dma2 semaphore(%arg19 : memref<!tpu.dma_semaphore, #tpu.memory_space<semaphore_mem>>) src(%dma_wait3A_32 : memref<128xi32, #tpu.memory_space<hbm>>) dst(%arg8 : memref<128xi32, #tpu.memory_space<vmem>>)
    %add3A_33 = arith.constant 128 : i32
    %add3A_34 = arith.addi %add3A_25, %add3A_33 : i32
    %dma_wait3A_35 = tpu.memref_slice %arg4[%add3A_34] : memref<327680xi32, #tpu.memory_space<hbm>> -> memref<128xi32, #tpu.memory_space<hbm>>
    %dma_wait3A_36 = tpu.memref_slice %arg4[%add3A_34] : memref<327680xi32, #tpu.memory_space<hbm>> -> memref<128xi32, #tpu.memory_space<hbm>>
    tpu.wait_dma2 semaphore(%arg19 : memref<!tpu.dma_semaphore, #tpu.memory_space<semaphore_mem>>) src(%dma_wait3A_36 : memref<128xi32, #tpu.memory_space<hbm>>) dst(%arg9 : memref<128xi32, #tpu.memory_space<vmem>>)
    %dma_start3A_37 = arith.constant 0 : i32
    %dma_start3A_38 = arith.constant 0 : i32
    %dma_start3A_39 = tpu.memref_slice %arg2[%dma_start3A_37, %dma_start3A_38] : memref<10000x128xf32, #tpu.memory_space<hbm>> -> memref<10000x128xf32, #tpu.memory_space<hbm>>
    tpu.enqueue_indirect_dma source(%dma_start3A_39 : memref<10000x128xf32, #tpu.memory_space<hbm>>) target(%arg14 : memref<128x128xf32, #tpu.memory_space<vmem>>) offsets(%arg6 : memref<128xi32, #tpu.memory_space<vmem>>) semaphore(%arg17 : memref<!tpu.dma_semaphore, #tpu.memory_space<semaphore_mem>>)
    %add3A_40 = arith.constant 256 : i32
    %add3A_41 = arith.addi %mul3A_2, %add3A_40 : i32
    %dma_start3A_42 = tpu.memref_slice %arg3[%add3A_41] : memref<327680xi32, #tpu.memory_space<hbm>> -> memref<128xi32, #tpu.memory_space<hbm>>
    %dma_start3A_43 = tpu.memref_slice %arg3[%add3A_41] : memref<327680xi32, #tpu.memory_space<hbm>> -> memref<128xi32, #tpu.memory_space<hbm>>
    tpu.enqueue_dma source(%dma_start3A_43 : memref<128xi32, #tpu.memory_space<hbm>>) target(%arg10 : memref<128xi32, #tpu.memory_space<vmem>>) target_semaphore(%arg19 : memref<!tpu.dma_semaphore, #tpu.memory_space<semaphore_mem>>)
    %dma_start3A_44 = tpu.memref_slice %arg4[%add3A_41] : memref<327680xi32, #tpu.memory_space<hbm>> -> memref<128xi32, #tpu.memory_space<hbm>>
    %dma_start3A_45 = tpu.memref_slice %arg4[%add3A_41] : memref<327680xi32, #tpu.memory_space<hbm>> -> memref<128xi32, #tpu.memory_space<hbm>>
    tpu.enqueue_dma source(%dma_start3A_45 : memref<128xi32, #tpu.memory_space<hbm>>) target(%arg11 : memref<128xi32, #tpu.memory_space<vmem>>) target_semaphore(%arg19 : memref<!tpu.dma_semaphore, #tpu.memory_space<semaphore_mem>>)
    %add3A_46 = arith.constant 128 : i32
    %add3A_47 = arith.addi %add3A_41, %add3A_46 : i32
    %dma_start3A_48 = tpu.memref_slice %arg3[%add3A_47] : memref<327680xi32, #tpu.memory_space<hbm>> -> memref<128xi32, #tpu.memory_space<hbm>>
    %dma_start3A_49 = tpu.memref_slice %arg3[%add3A_47] : memref<327680xi32, #tpu.memory_space<hbm>> -> memref<128xi32, #tpu.memory_space<hbm>>
    tpu.enqueue_dma source(%dma_start3A_49 : memref<128xi32, #tpu.memory_space<hbm>>) target(%arg12 : memref<128xi32, #tpu.memory_space<vmem>>) target_semaphore(%arg19 : memref<!tpu.dma_semaphore, #tpu.memory_space<semaphore_mem>>)
    %add3A_50 = arith.constant 128 : i32
    %add3A_51 = arith.addi %add3A_41, %add3A_50 : i32
    %dma_start3A_52 = tpu.memref_slice %arg4[%add3A_51] : memref<327680xi32, #tpu.memory_space<hbm>> -> memref<128xi32, #tpu.memory_space<hbm>>
    %dma_start3A_53 = tpu.memref_slice %arg4[%add3A_51] : memref<327680xi32, #tpu.memory_space<hbm>> -> memref<128xi32, #tpu.memory_space<hbm>>
    tpu.enqueue_dma source(%dma_start3A_53 : memref<128xi32, #tpu.memory_space<hbm>>) target(%arg13 : memref<128xi32, #tpu.memory_space<vmem>>) target_semaphore(%arg19 : memref<!tpu.dma_semaphore, #tpu.memory_space<semaphore_mem>>)
    %add3A_54 = arith.constant 0 : i32
    %add3A_55 = arith.addi %mul3A_4, %add3A_54 : i32
    %dma_start3A_56 = arith.constant 0 : i32
    %dma_start3A_57 = tpu.memref_slice %arg16[%add3A_55, %dma_start3A_56] : memref<10240x128xf32, #tpu.memory_space<vmem_shared>> -> memref<128x128xf32, #tpu.memory_space<vmem_shared>>
    %dma_start3A_58 = arith.constant 0 : i32
    %dma_start3A_59 = tpu.memref_slice %arg16[%add3A_55, %dma_start3A_58] : memref<10240x128xf32, #tpu.memory_space<vmem_shared>> -> memref<128x128xf32, #tpu.memory_space<vmem_shared>>
    tpu.enqueue_dma source(%arg15 : memref<128x128xf32, #tpu.memory_space<vmem>>) target(%dma_start3A_59 : memref<128x128xf32, #tpu.memory_space<vmem_shared>>) target_semaphore(%arg18 : memref<!tpu.dma_semaphore, #tpu.memory_space<semaphore_mem>>)
    %add3A_60 = arith.constant 128 : i32
    %add3A_61 = arith.addi %mul3A_4, %add3A_60 : i32
    %dma_start3A_62 = arith.constant 0 : i32
    %dma_start3A_63 = tpu.memref_slice %arg16[%add3A_61, %dma_start3A_62] : memref<10240x128xf32, #tpu.memory_space<vmem_shared>> -> memref<128x128xf32, #tpu.memory_space<vmem_shared>>
    %dma_start3A_64 = arith.constant 0 : i32
    %dma_start3A_65 = tpu.memref_slice %arg16[%add3A_61, %dma_start3A_64] : memref<10240x128xf32, #tpu.memory_space<vmem_shared>> -> memref<128x128xf32, #tpu.memory_space<vmem_shared>>
    tpu.enqueue_dma source(%arg15 : memref<128x128xf32, #tpu.memory_space<vmem>>) target(%dma_start3A_65 : memref<128x128xf32, #tpu.memory_space<vmem_shared>>) target_semaphore(%arg18 : memref<!tpu.dma_semaphore, #tpu.memory_space<semaphore_mem>>)
    %add3A_66 = arith.constant 256 : i32
    %add3A_67 = arith.addi %mul3A_4, %add3A_66 : i32
    %dma_start3A_68 = arith.constant 0 : i32
    %dma_start3A_69 = tpu.memref_slice %arg16[%add3A_67, %dma_start3A_68] : memref<10240x128xf32, #tpu.memory_space<vmem_shared>> -> memref<128x128xf32, #tpu.memory_space<vmem_shared>>
    %dma_start3A_70 = arith.constant 0 : i32
    %dma_start3A_71 = tpu.memref_slice %arg16[%add3A_67, %dma_start3A_70] : memref<10240x128xf32, #tpu.memory_space<vmem_shared>> -> memref<128x128xf32, #tpu.memory_space<vmem_shared>>
    tpu.enqueue_dma source(%arg15 : memref<128x128xf32, #tpu.memory_space<vmem>>) target(%dma_start3A_71 : memref<128x128xf32, #tpu.memory_space<vmem_shared>>) target_semaphore(%arg18 : memref<!tpu.dma_semaphore, #tpu.memory_space<semaphore_mem>>)
    %add3A_72 = arith.constant 384 : i32
    %add3A_73 = arith.addi %mul3A_4, %add3A_72 : i32
    %dma_start3A_74 = arith.constant 0 : i32
    %dma_start3A_75 = tpu.memref_slice %arg16[%add3A_73, %dma_start3A_74] : memref<10240x128xf32, #tpu.memory_space<vmem_shared>> -> memref<128x128xf32, #tpu.memory_space<vmem_shared>>
    %dma_start3A_76 = arith.constant 0 : i32
    %dma_start3A_77 = tpu.memref_slice %arg16[%add3A_73, %dma_start3A_76] : memref<10240x128xf32, #tpu.memory_space<vmem_shared>> -> memref<128x128xf32, #tpu.memory_space<vmem_shared>>
    tpu.enqueue_dma source(%arg15 : memref<128x128xf32, #tpu.memory_space<vmem>>) target(%dma_start3A_77 : memref<128x128xf32, #tpu.memory_space<vmem_shared>>) target_semaphore(%arg18 : memref<!tpu.dma_semaphore, #tpu.memory_space<semaphore_mem>>)
    %add3A_78 = arith.constant 512 : i32
    %add3A_79 = arith.addi %mul3A_4, %add3A_78 : i32
    %dma_start3A_80 = arith.constant 0 : i32
    %dma_start3A_81 = tpu.memref_slice %arg16[%add3A_79, %dma_start3A_80] : memref<10240x128xf32, #tpu.memory_space<vmem_shared>> -> memref<128x128xf32, #tpu.memory_space<vmem_shared>>
    %dma_start3A_82 = arith.constant 0 : i32
    %dma_start3A_83 = tpu.memref_slice %arg16[%add3A_79, %dma_start3A_82] : memref<10240x128xf32, #tpu.memory_space<vmem_shared>> -> memref<128x128xf32, #tpu.memory_space<vmem_shared>>
    tpu.enqueue_dma source(%arg15 : memref<128x128xf32, #tpu.memory_space<vmem>>) target(%dma_start3A_83 : memref<128x128xf32, #tpu.memory_space<vmem_shared>>) target_semaphore(%arg18 : memref<!tpu.dma_semaphore, #tpu.memory_space<semaphore_mem>>)
    %add3A_84 = arith.constant 0 : i32
    %add3A_85 = arith.addi %mul3A_4, %add3A_84 : i32
    %dma_wait3A_86 = arith.constant 0 : i32
    %dma_wait3A_87 = tpu.memref_slice %arg16[%add3A_85, %dma_wait3A_86] : memref<10240x128xf32, #tpu.memory_space<vmem_shared>> -> memref<128x128xf32, #tpu.memory_space<vmem_shared>>
    %dma_wait3A_88 = arith.constant 0 : i32
    %dma_wait3A_89 = tpu.memref_slice %arg16[%add3A_85, %dma_wait3A_88] : memref<10240x128xf32, #tpu.memory_space<vmem_shared>> -> memref<128x128xf32, #tpu.memory_space<vmem_shared>>
    tpu.wait_dma2 semaphore(%arg18 : memref<!tpu.dma_semaphore, #tpu.memory_space<semaphore_mem>>) src(%arg15 : memref<128x128xf32, #tpu.memory_space<vmem>>) dst(%dma_wait3A_89 : memref<128x128xf32, #tpu.memory_space<vmem_shared>>)
    %add3A_90 = arith.constant 128 : i32
    %add3A_91 = arith.addi %mul3A_4, %add3A_90 : i32
    %dma_wait3A_92 = arith.constant 0 : i32
    %dma_wait3A_93 = tpu.memref_slice %arg16[%add3A_91, %dma_wait3A_92] : memref<10240x128xf32, #tpu.memory_space<vmem_shared>> -> memref<128x128xf32, #tpu.memory_space<vmem_shared>>
    %dma_wait3A_94 = arith.constant 0 : i32
    %dma_wait3A_95 = tpu.memref_slice %arg16[%add3A_91, %dma_wait3A_94] : memref<10240x128xf32, #tpu.memory_space<vmem_shared>> -> memref<128x128xf32, #tpu.memory_space<vmem_shared>>
    tpu.wait_dma2 semaphore(%arg18 : memref<!tpu.dma_semaphore, #tpu.memory_space<semaphore_mem>>) src(%arg15 : memref<128x128xf32, #tpu.memory_space<vmem>>) dst(%dma_wait3A_95 : memref<128x128xf32, #tpu.memory_space<vmem_shared>>)
    %add3A_96 = arith.constant 256 : i32
    %add3A_97 = arith.addi %mul3A_4, %add3A_96 : i32
    %dma_wait3A_98 = arith.constant 0 : i32
    %dma_wait3A_99 = tpu.memref_slice %arg16[%add3A_97, %dma_wait3A_98] : memref<10240x128xf32, #tpu.memory_space<vmem_shared>> -> memref<128x128xf32, #tpu.memory_space<vmem_shared>>
    %dma_wait3A_100 = arith.constant 0 : i32
    %dma_wait3A_101 = tpu.memref_slice %arg16[%add3A_97, %dma_wait3A_100] : memref<10240x128xf32, #tpu.memory_space<vmem_shared>> -> memref<128x128xf32, #tpu.memory_space<vmem_shared>>
    tpu.wait_dma2 semaphore(%arg18 : memref<!tpu.dma_semaphore, #tpu.memory_space<semaphore_mem>>) src(%arg15 : memref<128x128xf32, #tpu.memory_space<vmem>>) dst(%dma_wait3A_101 : memref<128x128xf32, #tpu.memory_space<vmem_shared>>)
    %add3A_102 = arith.constant 384 : i32
    %add3A_103 = arith.addi %mul3A_4, %add3A_102 : i32
    %dma_wait3A_104 = arith.constant 0 : i32
    %dma_wait3A_105 = tpu.memref_slice %arg16[%add3A_103, %dma_wait3A_104] : memref<10240x128xf32, #tpu.memory_space<vmem_shared>> -> memref<128x128xf32, #tpu.memory_space<vmem_shared>>
    %dma_wait3A_106 = arith.constant 0 : i32
    %dma_wait3A_107 = tpu.memref_slice %arg16[%add3A_103, %dma_wait3A_106] : memref<10240x128xf32, #tpu.memory_space<vmem_shared>> -> memref<128x128xf32, #tpu.memory_space<vmem_shared>>
    tpu.wait_dma2 semaphore(%arg18 : memref<!tpu.dma_semaphore, #tpu.memory_space<semaphore_mem>>) src(%arg15 : memref<128x128xf32, #tpu.memory_space<vmem>>) dst(%dma_wait3A_107 : memref<128x128xf32, #tpu.memory_space<vmem_shared>>)
    %add3A_108 = arith.constant 512 : i32
    %add3A_109 = arith.addi %mul3A_4, %add3A_108 : i32
    %dma_wait3A_110 = arith.constant 0 : i32
    %dma_wait3A_111 = tpu.memref_slice %arg16[%add3A_109, %dma_wait3A_110] : memref<10240x128xf32, #tpu.memory_space<vmem_shared>> -> memref<128x128xf32, #tpu.memory_space<vmem_shared>>
    %dma_wait3A_112 = arith.constant 0 : i32
    %dma_wait3A_113 = tpu.memref_slice %arg16[%add3A_109, %dma_wait3A_112] : memref<10240x128xf32, #tpu.memory_space<vmem_shared>> -> memref<128x128xf32, #tpu.memory_space<vmem_shared>>
    tpu.wait_dma2 semaphore(%arg18 : memref<!tpu.dma_semaphore, #tpu.memory_space<semaphore_mem>>) src(%arg15 : memref<128x128xf32, #tpu.memory_space<vmem>>) dst(%dma_wait3A_113 : memref<128x128xf32, #tpu.memory_space<vmem_shared>>)
    %barrier3A = arith.constant 0 : index
    tpu.barrier barrier_id(%barrier3A)
    %dma_start3A_114 = arith.constant 0 : i32
    %dma_start3A_115 = arith.constant 0 : i32
    %dma_start3A_116 = tpu.memref_slice %arg2[%dma_start3A_114, %dma_start3A_115] : memref<10000x128xf32, #tpu.memory_space<hbm>> -> memref<10000x128xf32, #tpu.memory_space<hbm>>
    tpu.enqueue_indirect_dma source(%dma_start3A_116 : memref<10000x128xf32, #tpu.memory_space<hbm>>) target(%arg15 : memref<128x128xf32, #tpu.memory_space<vmem>>) offsets(%arg8 : memref<128xi32, #tpu.memory_space<vmem>>) semaphore(%arg18 : memref<!tpu.dma_semaphore, #tpu.memory_space<semaphore_mem>>)
    %scan3A_117 = arith.constant 0 : i32
    %scan3A_118 = arith.constant 0 : i32
    %scan3A_119 = arith.constant 40 : i32
    %scan3A_120 = arith.addi %scan3A_118, %scan3A_119 : i32
    %scan3A_121 = arith.constant 1 : i32
    scf.for %scan3A_194 = %scan3A_118 to %scan3A_120 step %scan3A_121  : i32 {
      %jit3A = arith.constant 2 : i32
      %eq3A = arith.constant 0 : i32
      %eq3A_195 = arith.cmpi eq, %jit3A, %eq3A : i32
      %jit3A_196 = arith.constant 1 : i32
      %select_n3A = arith.select %eq3A_195, %jit3A_196, %jit3A : i32
      %rem3A = arith.remsi %scan3A_194, %select_n3A : i32
      %ne3A = arith.constant 0 : i32
      %ne3A_197 = arith.cmpi ne, %rem3A, %ne3A : i32
      %lt3A = arith.constant 0 : i32
      %lt3A_198 = arith.cmpi slt, %rem3A, %lt3A : i32
      %lt3A_199 = arith.constant 0 : i32
      %lt3A_200 = arith.cmpi slt, %select_n3A, %lt3A_199 : i32
      %ne3A_201 = arith.xori %lt3A_198, %lt3A_200 : i1
      %and3A = arith.andi %ne3A_201, %ne3A_197 : i1
      %add3A_202 = arith.addi %rem3A, %select_n3A : i32
      %select_n3A_203 = arith.select %and3A, %add3A_202, %rem3A : i32
      %eq3A_204 = arith.constant 0 : i32
      %eq3A_205 = arith.cmpi eq, %select_n3A_203, %eq3A_204 : i32
      %convert_element_type3A = arith.extui %eq3A_205 : i1 to i32
      %cond3A = arith.constant 0 : i32
      %cond3A_206 = arith.cmpi ne, %convert_element_type3A, %cond3A : i32
      scf.if %cond3A_206 {
        %dma_wait3A_228 = arith.constant 0 : i32
        %dma_wait3A_229 = arith.constant 0 : i32
        %dma_wait3A_230 = tpu.memref_slice %arg2[%dma_wait3A_228, %dma_wait3A_229] : memref<10000x128xf32, #tpu.memory_space<hbm>> -> memref<10000x128xf32, #tpu.memory_space<hbm>>
        tpu.wait_indirect_dma semaphore(%arg17 : memref<!tpu.dma_semaphore, #tpu.memory_space<semaphore_mem>>) src(%dma_wait3A_230 : memref<10000x128xf32, #tpu.memory_space<hbm>>) dst(%arg14 : memref<128x128xf32, #tpu.memory_space<vmem>>)
        "tpu.region"() ({
          %run_scoped3A = tpu.sem_alloc : memref<!tpu.dma_semaphore, #tpu.memory_space<semaphore_mem>>
          %dma_start3A_255 = arith.constant 0 : i32
          %dma_start3A_256 = arith.constant 0 : i32
          %dma_start3A_257 = tpu.memref_slice %arg16[%dma_start3A_255, %dma_start3A_256] : memref<10240x128xf32, #tpu.memory_space<vmem_shared>> -> memref<10240x128xf32, #tpu.memory_space<vmem_shared>>
          tpu.enqueue_indirect_dma source(%arg14 : memref<128x128xf32, #tpu.memory_space<vmem>>) target(%dma_start3A_257 : memref<10240x128xf32, #tpu.memory_space<vmem_shared>>) offsets(%arg7 : memref<128xi32, #tpu.memory_space<vmem>>) semaphore(%run_scoped3A : memref<!tpu.dma_semaphore, #tpu.memory_space<semaphore_mem>>) {add = true}
          %dma_wait3A_258 = arith.constant 0 : i32
          %dma_wait3A_259 = arith.constant 0 : i32
          %dma_wait3A_260 = tpu.memref_slice %arg16[%dma_wait3A_258, %dma_wait3A_259] : memref<10240x128xf32, #tpu.memory_space<vmem_shared>> -> memref<10240x128xf32, #tpu.memory_space<vmem_shared>>
          tpu.wait_indirect_dma semaphore(%run_scoped3A : memref<!tpu.dma_semaphore, #tpu.memory_space<semaphore_mem>>) src(%arg14 : memref<128x128xf32, #tpu.memory_space<vmem>>) dst(%dma_wait3A_260 : memref<10240x128xf32, #tpu.memory_space<vmem_shared>>)
          tpu.yield
        }) : () -> ()
        %add3A_231 = arith.constant 1 : i32
        %add3A_232 = arith.addi %scan3A_194, %add3A_231 : i32
        %lt3A_233 = arith.constant 40 : i32
        %lt3A_234 = arith.cmpi slt, %add3A_232, %lt3A_233 : i32
        %convert_element_type3A_235 = arith.extui %lt3A_234 : i1 to i32
        %cond3A_236 = arith.constant 0 : i32
        %cond3A_237 = arith.cmpi ne, %convert_element_type3A_235, %cond3A_236 : i32
        scf.if %cond3A_237 {
          %add3A_255 = arith.constant 1 : i32
          %add3A_256 = arith.addi %scan3A_194, %add3A_255 : i32
          %mul3A_257 = arith.constant 2 : i32
          %mul3A_258 = arith.muli %mul3A_257, %add3A_256 : i32
          %mul3A_259 = arith.constant 128 : i32
          %mul3A_260 = arith.muli %mul3A_258, %mul3A_259 : i32
          %add3A_261 = arith.addi %mul3A_2, %mul3A_260 : i32
          %dma_wait3A_262 = tpu.memref_slice %arg3[%add3A_261] : memref<327680xi32, #tpu.memory_space<hbm>> -> memref<128xi32, #tpu.memory_space<hbm>>
          %dma_wait3A_263 = tpu.memref_slice %arg3[%add3A_261] : memref<327680xi32, #tpu.memory_space<hbm>> -> memref<128xi32, #tpu.memory_space<hbm>>
          tpu.wait_dma2 semaphore(%arg19 : memref<!tpu.dma_semaphore, #tpu.memory_space<semaphore_mem>>) src(%dma_wait3A_263 : memref<128xi32, #tpu.memory_space<hbm>>) dst(%arg10 : memref<128xi32, #tpu.memory_space<vmem>>)
          %dma_wait3A_264 = tpu.memref_slice %arg4[%add3A_261] : memref<327680xi32, #tpu.memory_space<hbm>> -> memref<128xi32, #tpu.memory_space<hbm>>
          %dma_wait3A_265 = tpu.memref_slice %arg4[%add3A_261] : memref<327680xi32, #tpu.memory_space<hbm>> -> memref<128xi32, #tpu.memory_space<hbm>>
          tpu.wait_dma2 semaphore(%arg19 : memref<!tpu.dma_semaphore, #tpu.memory_space<semaphore_mem>>) src(%dma_wait3A_265 : memref<128xi32, #tpu.memory_space<hbm>>) dst(%arg11 : memref<128xi32, #tpu.memory_space<vmem>>)
          %add3A_266 = arith.constant 128 : i32
          %add3A_267 = arith.addi %add3A_261, %add3A_266 : i32
          %dma_wait3A_268 = tpu.memref_slice %arg3[%add3A_267] : memref<327680xi32, #tpu.memory_space<hbm>> -> memref<128xi32, #tpu.memory_space<hbm>>
          %dma_wait3A_269 = tpu.memref_slice %arg3[%add3A_267] : memref<327680xi32, #tpu.memory_space<hbm>> -> memref<128xi32, #tpu.memory_space<hbm>>
          tpu.wait_dma2 semaphore(%arg19 : memref<!tpu.dma_semaphore, #tpu.memory_space<semaphore_mem>>) src(%dma_wait3A_269 : memref<128xi32, #tpu.memory_space<hbm>>) dst(%arg12 : memref<128xi32, #tpu.memory_space<vmem>>)
          %add3A_270 = arith.constant 128 : i32
          %add3A_271 = arith.addi %add3A_261, %add3A_270 : i32
          %dma_wait3A_272 = tpu.memref_slice %arg4[%add3A_271] : memref<327680xi32, #tpu.memory_space<hbm>> -> memref<128xi32, #tpu.memory_space<hbm>>
          %dma_wait3A_273 = tpu.memref_slice %arg4[%add3A_271] : memref<327680xi32, #tpu.memory_space<hbm>> -> memref<128xi32, #tpu.memory_space<hbm>>
          tpu.wait_dma2 semaphore(%arg19 : memref<!tpu.dma_semaphore, #tpu.memory_space<semaphore_mem>>) src(%dma_wait3A_273 : memref<128xi32, #tpu.memory_space<hbm>>) dst(%arg13 : memref<128xi32, #tpu.memory_space<vmem>>)
          %dma_start3A_274 = arith.constant 0 : i32
          %dma_start3A_275 = arith.constant 0 : i32
          %dma_start3A_276 = tpu.memref_slice %arg2[%dma_start3A_274, %dma_start3A_275] : memref<10000x128xf32, #tpu.memory_space<hbm>> -> memref<10000x128xf32, #tpu.memory_space<hbm>>
          tpu.enqueue_indirect_dma source(%dma_start3A_276 : memref<10000x128xf32, #tpu.memory_space<hbm>>) target(%arg14 : memref<128x128xf32, #tpu.memory_space<vmem>>) offsets(%arg10 : memref<128xi32, #tpu.memory_space<vmem>>) semaphore(%arg17 : memref<!tpu.dma_semaphore, #tpu.memory_space<semaphore_mem>>)
        } else {
        }
        %dma_wait3A_238 = arith.constant 0 : i32
        %dma_wait3A_239 = arith.constant 0 : i32
        %dma_wait3A_240 = tpu.memref_slice %arg2[%dma_wait3A_238, %dma_wait3A_239] : memref<10000x128xf32, #tpu.memory_space<hbm>> -> memref<10000x128xf32, #tpu.memory_space<hbm>>
        tpu.wait_indirect_dma semaphore(%arg18 : memref<!tpu.dma_semaphore, #tpu.memory_space<semaphore_mem>>) src(%dma_wait3A_240 : memref<10000x128xf32, #tpu.memory_space<hbm>>) dst(%arg15 : memref<128x128xf32, #tpu.memory_space<vmem>>)
        "tpu.region"() ({
          %run_scoped3A = tpu.sem_alloc : memref<!tpu.dma_semaphore, #tpu.memory_space<semaphore_mem>>
          %dma_start3A_255 = arith.constant 0 : i32
          %dma_start3A_256 = arith.constant 0 : i32
          %dma_start3A_257 = tpu.memref_slice %arg16[%dma_start3A_255, %dma_start3A_256] : memref<10240x128xf32, #tpu.memory_space<vmem_shared>> -> memref<10240x128xf32, #tpu.memory_space<vmem_shared>>
          tpu.enqueue_indirect_dma source(%arg15 : memref<128x128xf32, #tpu.memory_space<vmem>>) target(%dma_start3A_257 : memref<10240x128xf32, #tpu.memory_space<vmem_shared>>) offsets(%arg9 : memref<128xi32, #tpu.memory_space<vmem>>) semaphore(%run_scoped3A : memref<!tpu.dma_semaphore, #tpu.memory_space<semaphore_mem>>) {add = true}
          %dma_wait3A_258 = arith.constant 0 : i32
          %dma_wait3A_259 = arith.constant 0 : i32
          %dma_wait3A_260 = tpu.memref_slice %arg16[%dma_wait3A_258, %dma_wait3A_259] : memref<10240x128xf32, #tpu.memory_space<vmem_shared>> -> memref<10240x128xf32, #tpu.memory_space<vmem_shared>>
          tpu.wait_indirect_dma semaphore(%run_scoped3A : memref<!tpu.dma_semaphore, #tpu.memory_space<semaphore_mem>>) src(%arg15 : memref<128x128xf32, #tpu.memory_space<vmem>>) dst(%dma_wait3A_260 : memref<10240x128xf32, #tpu.memory_space<vmem_shared>>)
          tpu.yield
        }) : () -> ()
        %add3A_241 = arith.constant 1 : i32
        %add3A_242 = arith.addi %scan3A_194, %add3A_241 : i32
        %lt3A_243 = arith.constant 40 : i32
        %lt3A_244 = arith.cmpi slt, %add3A_242, %lt3A_243 : i32
        %convert_element_type3A_245 = arith.extui %lt3A_244 : i1 to i32
        %cond3A_246 = arith.constant 0 : i32
        %cond3A_247 = arith.cmpi ne, %convert_element_type3A_245, %cond3A_246 : i32
        scf.if %cond3A_247 {
          %dma_start3A_255 = arith.constant 0 : i32
          %dma_start3A_256 = arith.constant 0 : i32
          %dma_start3A_257 = tpu.memref_slice %arg2[%dma_start3A_255, %dma_start3A_256] : memref<10000x128xf32, #tpu.memory_space<hbm>> -> memref<10000x128xf32, #tpu.memory_space<hbm>>
          tpu.enqueue_indirect_dma source(%dma_start3A_257 : memref<10000x128xf32, #tpu.memory_space<hbm>>) target(%arg15 : memref<128x128xf32, #tpu.memory_space<vmem>>) offsets(%arg12 : memref<128xi32, #tpu.memory_space<vmem>>) semaphore(%arg18 : memref<!tpu.dma_semaphore, #tpu.memory_space<semaphore_mem>>)
        } else {
        }
        %add3A_248 = arith.constant 2 : i32
        %add3A_249 = arith.addi %scan3A_194, %add3A_248 : i32
        %lt3A_250 = arith.constant 40 : i32
        %lt3A_251 = arith.cmpi slt, %add3A_249, %lt3A_250 : i32
        %convert_element_type3A_252 = arith.extui %lt3A_251 : i1 to i32
        %cond3A_253 = arith.constant 0 : i32
        %cond3A_254 = arith.cmpi ne, %convert_element_type3A_252, %cond3A_253 : i32
        scf.if %cond3A_254 {
          %add3A_255 = arith.constant 2 : i32
          %add3A_256 = arith.addi %scan3A_194, %add3A_255 : i32
          %mul3A_257 = arith.constant 2 : i32
          %mul3A_258 = arith.muli %mul3A_257, %add3A_256 : i32
          %mul3A_259 = arith.constant 128 : i32
          %mul3A_260 = arith.muli %mul3A_258, %mul3A_259 : i32
          %add3A_261 = arith.addi %mul3A_2, %mul3A_260 : i32
          %dma_start3A_262 = tpu.memref_slice %arg3[%add3A_261] : memref<327680xi32, #tpu.memory_space<hbm>> -> memref<128xi32, #tpu.memory_space<hbm>>
          %dma_start3A_263 = tpu.memref_slice %arg3[%add3A_261] : memref<327680xi32, #tpu.memory_space<hbm>> -> memref<128xi32, #tpu.memory_space<hbm>>
          tpu.enqueue_dma source(%dma_start3A_263 : memref<128xi32, #tpu.memory_space<hbm>>) target(%arg6 : memref<128xi32, #tpu.memory_space<vmem>>) target_semaphore(%arg19 : memref<!tpu.dma_semaphore, #tpu.memory_space<semaphore_mem>>)
          %dma_start3A_264 = tpu.memref_slice %arg4[%add3A_261] : memref<327680xi32, #tpu.memory_space<hbm>> -> memref<128xi32, #tpu.memory_space<hbm>>
          %dma_start3A_265 = tpu.memref_slice %arg4[%add3A_261] : memref<327680xi32, #tpu.memory_space<hbm>> -> memref<128xi32, #tpu.memory_space<hbm>>
          tpu.enqueue_dma source(%dma_start3A_265 : memref<128xi32, #tpu.memory_space<hbm>>) target(%arg7 : memref<128xi32, #tpu.memory_space<vmem>>) target_semaphore(%arg19 : memref<!tpu.dma_semaphore, #tpu.memory_space<semaphore_mem>>)
          %add3A_266 = arith.constant 128 : i32
          %add3A_267 = arith.addi %add3A_261, %add3A_266 : i32
          %dma_start3A_268 = tpu.memref_slice %arg3[%add3A_267] : memref<327680xi32, #tpu.memory_space<hbm>> -> memref<128xi32, #tpu.memory_space<hbm>>
          %dma_start3A_269 = tpu.memref_slice %arg3[%add3A_267] : memref<327680xi32, #tpu.memory_space<hbm>> -> memref<128xi32, #tpu.memory_space<hbm>>
          tpu.enqueue_dma source(%dma_start3A_269 : memref<128xi32, #tpu.memory_space<hbm>>) target(%arg8 : memref<128xi32, #tpu.memory_space<vmem>>) target_semaphore(%arg19 : memref<!tpu.dma_semaphore, #tpu.memory_space<semaphore_mem>>)
          %add3A_270 = arith.constant 128 : i32
          %add3A_271 = arith.addi %add3A_261, %add3A_270 : i32
          %dma_start3A_272 = tpu.memref_slice %arg4[%add3A_271] : memref<327680xi32, #tpu.memory_space<hbm>> -> memref<128xi32, #tpu.memory_space<hbm>>
          %dma_start3A_273 = tpu.memref_slice %arg4[%add3A_271] : memref<327680xi32, #tpu.memory_space<hbm>> -> memref<128xi32, #tpu.memory_space<hbm>>
          tpu.enqueue_dma source(%dma_start3A_273 : memref<128xi32, #tpu.memory_space<hbm>>) target(%arg9 : memref<128xi32, #tpu.memory_space<vmem>>) target_semaphore(%arg19 : memref<!tpu.dma_semaphore, #tpu.memory_space<semaphore_mem>>)
        } else {
        }
      } else {
      }
      %jit3A_207 = arith.constant 2 : i32
      %eq3A_208 = arith.constant 0 : i32
      %eq3A_209 = arith.cmpi eq, %jit3A_207, %eq3A_208 : i32
      %jit3A_210 = arith.constant 1 : i32
      %select_n3A_211 = arith.select %eq3A_209, %jit3A_210, %jit3A_207 : i32
      %rem3A_212 = arith.remsi %scan3A_194, %select_n3A_211 : i32
      %ne3A_213 = arith.constant 0 : i32
      %ne3A_214 = arith.cmpi ne, %rem3A_212, %ne3A_213 : i32
      %lt3A_215 = arith.constant 0 : i32
      %lt3A_216 = arith.cmpi slt, %rem3A_212, %lt3A_215 : i32
      %lt3A_217 = arith.constant 0 : i32
      %lt3A_218 = arith.cmpi slt, %select_n3A_211, %lt3A_217 : i32
      %ne3A_219 = arith.xori %lt3A_216, %lt3A_218 : i1
      %and3A_220 = arith.andi %ne3A_219, %ne3A_214 : i1
      %add3A_221 = arith.addi %rem3A_212, %select_n3A_211 : i32
      %select_n3A_222 = arith.select %and3A_220, %add3A_221, %rem3A_212 : i32
      %eq3A_223 = arith.constant 1 : i32
      %eq3A_224 = arith.cmpi eq, %select_n3A_222, %eq3A_223 : i32
      %convert_element_type3A_225 = arith.extui %eq3A_224 : i1 to i32
      %cond3A_226 = arith.constant 0 : i32
      %cond3A_227 = arith.cmpi ne, %convert_element_type3A_225, %cond3A_226 : i32
      scf.if %cond3A_227 {
        %dma_wait3A_228 = arith.constant 0 : i32
        %dma_wait3A_229 = arith.constant 0 : i32
        %dma_wait3A_230 = tpu.memref_slice %arg2[%dma_wait3A_228, %dma_wait3A_229] : memref<10000x128xf32, #tpu.memory_space<hbm>> -> memref<10000x128xf32, #tpu.memory_space<hbm>>
        tpu.wait_indirect_dma semaphore(%arg17 : memref<!tpu.dma_semaphore, #tpu.memory_space<semaphore_mem>>) src(%dma_wait3A_230 : memref<10000x128xf32, #tpu.memory_space<hbm>>) dst(%arg14 : memref<128x128xf32, #tpu.memory_space<vmem>>)
        "tpu.region"() ({
          %run_scoped3A = tpu.sem_alloc : memref<!tpu.dma_semaphore, #tpu.memory_space<semaphore_mem>>
          %dma_start3A_255 = arith.constant 0 : i32
          %dma_start3A_256 = arith.constant 0 : i32
          %dma_start3A_257 = tpu.memref_slice %arg16[%dma_start3A_255, %dma_start3A_256] : memref<10240x128xf32, #tpu.memory_space<vmem_shared>> -> memref<10240x128xf32, #tpu.memory_space<vmem_shared>>
          tpu.enqueue_indirect_dma source(%arg14 : memref<128x128xf32, #tpu.memory_space<vmem>>) target(%dma_start3A_257 : memref<10240x128xf32, #tpu.memory_space<vmem_shared>>) offsets(%arg11 : memref<128xi32, #tpu.memory_space<vmem>>) semaphore(%run_scoped3A : memref<!tpu.dma_semaphore, #tpu.memory_space<semaphore_mem>>) {add = true}
          %dma_wait3A_258 = arith.constant 0 : i32
          %dma_wait3A_259 = arith.constant 0 : i32
          %dma_wait3A_260 = tpu.memref_slice %arg16[%dma_wait3A_258, %dma_wait3A_259] : memref<10240x128xf32, #tpu.memory_space<vmem_shared>> -> memref<10240x128xf32, #tpu.memory_space<vmem_shared>>
          tpu.wait_indirect_dma semaphore(%run_scoped3A : memref<!tpu.dma_semaphore, #tpu.memory_space<semaphore_mem>>) src(%arg14 : memref<128x128xf32, #tpu.memory_space<vmem>>) dst(%dma_wait3A_260 : memref<10240x128xf32, #tpu.memory_space<vmem_shared>>)
          tpu.yield
        }) : () -> ()
        %add3A_231 = arith.constant 1 : i32
        %add3A_232 = arith.addi %scan3A_194, %add3A_231 : i32
        %lt3A_233 = arith.constant 40 : i32
        %lt3A_234 = arith.cmpi slt, %add3A_232, %lt3A_233 : i32
        %convert_element_type3A_235 = arith.extui %lt3A_234 : i1 to i32
        %cond3A_236 = arith.constant 0 : i32
        %cond3A_237 = arith.cmpi ne, %convert_element_type3A_235, %cond3A_236 : i32
        scf.if %cond3A_237 {
          %add3A_255 = arith.constant 1 : i32
          %add3A_256 = arith.addi %scan3A_194, %add3A_255 : i32
          %mul3A_257 = arith.constant 2 : i32
          %mul3A_258 = arith.muli %mul3A_257, %add3A_256 : i32
          %mul3A_259 = arith.constant 128 : i32
          %mul3A_260 = arith.muli %mul3A_258, %mul3A_259 : i32
          %add3A_261 = arith.addi %mul3A_2, %mul3A_260 : i32
          %dma_wait3A_262 = tpu.memref_slice %arg3[%add3A_261] : memref<327680xi32, #tpu.memory_space<hbm>> -> memref<128xi32, #tpu.memory_space<hbm>>
          %dma_wait3A_263 = tpu.memref_slice %arg3[%add3A_261] : memref<327680xi32, #tpu.memory_space<hbm>> -> memref<128xi32, #tpu.memory_space<hbm>>
          tpu.wait_dma2 semaphore(%arg19 : memref<!tpu.dma_semaphore, #tpu.memory_space<semaphore_mem>>) src(%dma_wait3A_263 : memref<128xi32, #tpu.memory_space<hbm>>) dst(%arg6 : memref<128xi32, #tpu.memory_space<vmem>>)
          %dma_wait3A_264 = tpu.memref_slice %arg4[%add3A_261] : memref<327680xi32, #tpu.memory_space<hbm>> -> memref<128xi32, #tpu.memory_space<hbm>>
          %dma_wait3A_265 = tpu.memref_slice %arg4[%add3A_261] : memref<327680xi32, #tpu.memory_space<hbm>> -> memref<128xi32, #tpu.memory_space<hbm>>
          tpu.wait_dma2 semaphore(%arg19 : memref<!tpu.dma_semaphore, #tpu.memory_space<semaphore_mem>>) src(%dma_wait3A_265 : memref<128xi32, #tpu.memory_space<hbm>>) dst(%arg7 : memref<128xi32, #tpu.memory_space<vmem>>)
          %add3A_266 = arith.constant 128 : i32
          %add3A_267 = arith.addi %add3A_261, %add3A_266 : i32
          %dma_wait3A_268 = tpu.memref_slice %arg3[%add3A_267] : memref<327680xi32, #tpu.memory_space<hbm>> -> memref<128xi32, #tpu.memory_space<hbm>>
          %dma_wait3A_269 = tpu.memref_slice %arg3[%add3A_267] : memref<327680xi32, #tpu.memory_space<hbm>> -> memref<128xi32, #tpu.memory_space<hbm>>
          tpu.wait_dma2 semaphore(%arg19 : memref<!tpu.dma_semaphore, #tpu.memory_space<semaphore_mem>>) src(%dma_wait3A_269 : memref<128xi32, #tpu.memory_space<hbm>>) dst(%arg8 : memref<128xi32, #tpu.memory_space<vmem>>)
          %add3A_270 = arith.constant 128 : i32
          %add3A_271 = arith.addi %add3A_261, %add3A_270 : i32
          %dma_wait3A_272 = tpu.memref_slice %arg4[%add3A_271] : memref<327680xi32, #tpu.memory_space<hbm>> -> memref<128xi32, #tpu.memory_space<hbm>>
          %dma_wait3A_273 = tpu.memref_slice %arg4[%add3A_271] : memref<327680xi32, #tpu.memory_space<hbm>> -> memref<128xi32, #tpu.memory_space<hbm>>
          tpu.wait_dma2 semaphore(%arg19 : memref<!tpu.dma_semaphore, #tpu.memory_space<semaphore_mem>>) src(%dma_wait3A_273 : memref<128xi32, #tpu.memory_space<hbm>>) dst(%arg9 : memref<128xi32, #tpu.memory_space<vmem>>)
          %dma_start3A_274 = arith.constant 0 : i32
          %dma_start3A_275 = arith.constant 0 : i32
          %dma_start3A_276 = tpu.memref_slice %arg2[%dma_start3A_274, %dma_start3A_275] : memref<10000x128xf32, #tpu.memory_space<hbm>> -> memref<10000x128xf32, #tpu.memory_space<hbm>>
          tpu.enqueue_indirect_dma source(%dma_start3A_276 : memref<10000x128xf32, #tpu.memory_space<hbm>>) target(%arg14 : memref<128x128xf32, #tpu.memory_space<vmem>>) offsets(%arg6 : memref<128xi32, #tpu.memory_space<vmem>>) semaphore(%arg17 : memref<!tpu.dma_semaphore, #tpu.memory_space<semaphore_mem>>)
        } else {
        }
        %dma_wait3A_238 = arith.constant 0 : i32
        %dma_wait3A_239 = arith.constant 0 : i32
        %dma_wait3A_240 = tpu.memref_slice %arg2[%dma_wait3A_238, %dma_wait3A_239] : memref<10000x128xf32, #tpu.memory_space<hbm>> -> memref<10000x128xf32, #tpu.memory_space<hbm>>
        tpu.wait_indirect_dma semaphore(%arg18 : memref<!tpu.dma_semaphore, #tpu.memory_space<semaphore_mem>>) src(%dma_wait3A_240 : memref<10000x128xf32, #tpu.memory_space<hbm>>) dst(%arg15 : memref<128x128xf32, #tpu.memory_space<vmem>>)
        "tpu.region"() ({
          %run_scoped3A = tpu.sem_alloc : memref<!tpu.dma_semaphore, #tpu.memory_space<semaphore_mem>>
          %dma_start3A_255 = arith.constant 0 : i32
          %dma_start3A_256 = arith.constant 0 : i32
          %dma_start3A_257 = tpu.memref_slice %arg16[%dma_start3A_255, %dma_start3A_256] : memref<10240x128xf32, #tpu.memory_space<vmem_shared>> -> memref<10240x128xf32, #tpu.memory_space<vmem_shared>>
          tpu.enqueue_indirect_dma source(%arg15 : memref<128x128xf32, #tpu.memory_space<vmem>>) target(%dma_start3A_257 : memref<10240x128xf32, #tpu.memory_space<vmem_shared>>) offsets(%arg13 : memref<128xi32, #tpu.memory_space<vmem>>) semaphore(%run_scoped3A : memref<!tpu.dma_semaphore, #tpu.memory_space<semaphore_mem>>) {add = true}
          %dma_wait3A_258 = arith.constant 0 : i32
          %dma_wait3A_259 = arith.constant 0 : i32
          %dma_wait3A_260 = tpu.memref_slice %arg16[%dma_wait3A_258, %dma_wait3A_259] : memref<10240x128xf32, #tpu.memory_space<vmem_shared>> -> memref<10240x128xf32, #tpu.memory_space<vmem_shared>>
          tpu.wait_indirect_dma semaphore(%run_scoped3A : memref<!tpu.dma_semaphore, #tpu.memory_space<semaphore_mem>>) src(%arg15 : memref<128x128xf32, #tpu.memory_space<vmem>>) dst(%dma_wait3A_260 : memref<10240x128xf32, #tpu.memory_space<vmem_shared>>)
          tpu.yield
        }) : () -> ()
        %add3A_241 = arith.constant 1 : i32
        %add3A_242 = arith.addi %scan3A_194, %add3A_241 : i32
        %lt3A_243 = arith.constant 40 : i32
        %lt3A_244 = arith.cmpi slt, %add3A_242, %lt3A_243 : i32
        %convert_element_type3A_245 = arith.extui %lt3A_244 : i1 to i32
        %cond3A_246 = arith.constant 0 : i32
        %cond3A_247 = arith.cmpi ne, %convert_element_type3A_245, %cond3A_246 : i32
        scf.if %cond3A_247 {
          %dma_start3A_255 = arith.constant 0 : i32
          %dma_start3A_256 = arith.constant 0 : i32
          %dma_start3A_257 = tpu.memref_slice %arg2[%dma_start3A_255, %dma_start3A_256] : memref<10000x128xf32, #tpu.memory_space<hbm>> -> memref<10000x128xf32, #tpu.memory_space<hbm>>
          tpu.enqueue_indirect_dma source(%dma_start3A_257 : memref<10000x128xf32, #tpu.memory_space<hbm>>) target(%arg15 : memref<128x128xf32, #tpu.memory_space<vmem>>) offsets(%arg8 : memref<128xi32, #tpu.memory_space<vmem>>) semaphore(%arg18 : memref<!tpu.dma_semaphore, #tpu.memory_space<semaphore_mem>>)
        } else {
        }
        %add3A_248 = arith.constant 2 : i32
        %add3A_249 = arith.addi %scan3A_194, %add3A_248 : i32
        %lt3A_250 = arith.constant 40 : i32
        %lt3A_251 = arith.cmpi slt, %add3A_249, %lt3A_250 : i32
        %convert_element_type3A_252 = arith.extui %lt3A_251 : i1 to i32
        %cond3A_253 = arith.constant 0 : i32
        %cond3A_254 = arith.cmpi ne, %convert_element_type3A_252, %cond3A_253 : i32
        scf.if %cond3A_254 {
          %add3A_255 = arith.constant 2 : i32
          %add3A_256 = arith.addi %scan3A_194, %add3A_255 : i32
          %mul3A_257 = arith.constant 2 : i32
          %mul3A_258 = arith.muli %mul3A_257, %add3A_256 : i32
          %mul3A_259 = arith.constant 128 : i32
          %mul3A_260 = arith.muli %mul3A_258, %mul3A_259 : i32
          %add3A_261 = arith.addi %mul3A_2, %mul3A_260 : i32
          %dma_start3A_262 = tpu.memref_slice %arg3[%add3A_261] : memref<327680xi32, #tpu.memory_space<hbm>> -> memref<128xi32, #tpu.memory_space<hbm>>
          %dma_start3A_263 = tpu.memref_slice %arg3[%add3A_261] : memref<327680xi32, #tpu.memory_space<hbm>> -> memref<128xi32, #tpu.memory_space<hbm>>
          tpu.enqueue_dma source(%dma_start3A_263 : memref<128xi32, #tpu.memory_space<hbm>>) target(%arg10 : memref<128xi32, #tpu.memory_space<vmem>>) target_semaphore(%arg19 : memref<!tpu.dma_semaphore, #tpu.memory_space<semaphore_mem>>)
          %dma_start3A_264 = tpu.memref_slice %arg4[%add3A_261] : memref<327680xi32, #tpu.memory_space<hbm>> -> memref<128xi32, #tpu.memory_space<hbm>>
          %dma_start3A_265 = tpu.memref_slice %arg4[%add3A_261] : memref<327680xi32, #tpu.memory_space<hbm>> -> memref<128xi32, #tpu.memory_space<hbm>>
          tpu.enqueue_dma source(%dma_start3A_265 : memref<128xi32, #tpu.memory_space<hbm>>) target(%arg11 : memref<128xi32, #tpu.memory_space<vmem>>) target_semaphore(%arg19 : memref<!tpu.dma_semaphore, #tpu.memory_space<semaphore_mem>>)
          %add3A_266 = arith.constant 128 : i32
          %add3A_267 = arith.addi %add3A_261, %add3A_266 : i32
          %dma_start3A_268 = tpu.memref_slice %arg3[%add3A_267] : memref<327680xi32, #tpu.memory_space<hbm>> -> memref<128xi32, #tpu.memory_space<hbm>>
          %dma_start3A_269 = tpu.memref_slice %arg3[%add3A_267] : memref<327680xi32, #tpu.memory_space<hbm>> -> memref<128xi32, #tpu.memory_space<hbm>>
          tpu.enqueue_dma source(%dma_start3A_269 : memref<128xi32, #tpu.memory_space<hbm>>) target(%arg12 : memref<128xi32, #tpu.memory_space<vmem>>) target_semaphore(%arg19 : memref<!tpu.dma_semaphore, #tpu.memory_space<semaphore_mem>>)
          %add3A_270 = arith.constant 128 : i32
          %add3A_271 = arith.addi %add3A_261, %add3A_270 : i32
          %dma_start3A_272 = tpu.memref_slice %arg4[%add3A_271] : memref<327680xi32, #tpu.memory_space<hbm>> -> memref<128xi32, #tpu.memory_space<hbm>>
          %dma_start3A_273 = tpu.memref_slice %arg4[%add3A_271] : memref<327680xi32, #tpu.memory_space<hbm>> -> memref<128xi32, #tpu.memory_space<hbm>>
          tpu.enqueue_dma source(%dma_start3A_273 : memref<128xi32, #tpu.memory_space<hbm>>) target(%arg13 : memref<128xi32, #tpu.memory_space<vmem>>) target_semaphore(%arg19 : memref<!tpu.dma_semaphore, #tpu.memory_space<semaphore_mem>>)
        } else {
        }
      } else {
      }
    }
    %scan3A_122 = arith.constant 40 : i32
    %barrier3A_123 = arith.constant 0 : index
    tpu.barrier barrier_id(%barrier3A_123)
    %add3A_124 = arith.constant 0 : i32
    %add3A_125 = arith.addi %mul3A_4, %add3A_124 : i32
    %dma_start3A_126 = arith.constant 0 : i32
    %dma_start3A_127 = tpu.memref_slice %arg5[%arg0, %add3A_125, %dma_start3A_126] : memref<2x10240x128xf32, #tpu.memory_space<hbm>> -> memref<1x128x128xf32, #tpu.memory_space<hbm>>
    %dma_start3A_128 = tpu.memref_squeeze %dma_start3A_127 : memref<1x128x128xf32, #tpu.memory_space<hbm>> -> memref<128x128xf32, #tpu.memory_space<hbm>>
    %dma_start3A_129 = arith.constant 0 : i32
    %dma_start3A_130 = tpu.memref_slice %arg16[%add3A_125, %dma_start3A_129] : memref<10240x128xf32, #tpu.memory_space<vmem_shared>> -> memref<128x128xf32, #tpu.memory_space<vmem_shared>>
    tpu.enqueue_dma source(%dma_start3A_130 : memref<128x128xf32, #tpu.memory_space<vmem_shared>>) target(%dma_start3A_128 : memref<128x128xf32, #tpu.memory_space<hbm>>) target_semaphore(%arg17 : memref<!tpu.dma_semaphore, #tpu.memory_space<semaphore_mem>>)
    %add3A_131 = arith.constant 128 : i32
    %add3A_132 = arith.addi %mul3A_4, %add3A_131 : i32
    %dma_start3A_133 = arith.constant 0 : i32
    %dma_start3A_134 = tpu.memref_slice %arg5[%arg0, %add3A_132, %dma_start3A_133] : memref<2x10240x128xf32, #tpu.memory_space<hbm>> -> memref<1x128x128xf32, #tpu.memory_space<hbm>>
    %dma_start3A_135 = tpu.memref_squeeze %dma_start3A_134 : memref<1x128x128xf32, #tpu.memory_space<hbm>> -> memref<128x128xf32, #tpu.memory_space<hbm>>
    %dma_start3A_136 = arith.constant 0 : i32
    %dma_start3A_137 = tpu.memref_slice %arg16[%add3A_132, %dma_start3A_136] : memref<10240x128xf32, #tpu.memory_space<vmem_shared>> -> memref<128x128xf32, #tpu.memory_space<vmem_shared>>
    tpu.enqueue_dma source(%dma_start3A_137 : memref<128x128xf32, #tpu.memory_space<vmem_shared>>) target(%dma_start3A_135 : memref<128x128xf32, #tpu.memory_space<hbm>>) target_semaphore(%arg17 : memref<!tpu.dma_semaphore, #tpu.memory_space<semaphore_mem>>)
    %add3A_138 = arith.constant 256 : i32
    %add3A_139 = arith.addi %mul3A_4, %add3A_138 : i32
    %dma_start3A_140 = arith.constant 0 : i32
    %dma_start3A_141 = tpu.memref_slice %arg5[%arg0, %add3A_139, %dma_start3A_140] : memref<2x10240x128xf32, #tpu.memory_space<hbm>> -> memref<1x128x128xf32, #tpu.memory_space<hbm>>
    %dma_start3A_142 = tpu.memref_squeeze %dma_start3A_141 : memref<1x128x128xf32, #tpu.memory_space<hbm>> -> memref<128x128xf32, #tpu.memory_space<hbm>>
    %dma_start3A_143 = arith.constant 0 : i32
    %dma_start3A_144 = tpu.memref_slice %arg16[%add3A_139, %dma_start3A_143] : memref<10240x128xf32, #tpu.memory_space<vmem_shared>> -> memref<128x128xf32, #tpu.memory_space<vmem_shared>>
    tpu.enqueue_dma source(%dma_start3A_144 : memref<128x128xf32, #tpu.memory_space<vmem_shared>>) target(%dma_start3A_142 : memref<128x128xf32, #tpu.memory_space<hbm>>) target_semaphore(%arg17 : memref<!tpu.dma_semaphore, #tpu.memory_space<semaphore_mem>>)
    %add3A_145 = arith.constant 384 : i32
    %add3A_146 = arith.addi %mul3A_4, %add3A_145 : i32
    %dma_start3A_147 = arith.constant 0 : i32
    %dma_start3A_148 = tpu.memref_slice %arg5[%arg0, %add3A_146, %dma_start3A_147] : memref<2x10240x128xf32, #tpu.memory_space<hbm>> -> memref<1x128x128xf32, #tpu.memory_space<hbm>>
    %dma_start3A_149 = tpu.memref_squeeze %dma_start3A_148 : memref<1x128x128xf32, #tpu.memory_space<hbm>> -> memref<128x128xf32, #tpu.memory_space<hbm>>
    %dma_start3A_150 = arith.constant 0 : i32
    %dma_start3A_151 = tpu.memref_slice %arg16[%add3A_146, %dma_start3A_150] : memref<10240x128xf32, #tpu.memory_space<vmem_shared>> -> memref<128x128xf32, #tpu.memory_space<vmem_shared>>
    tpu.enqueue_dma source(%dma_start3A_151 : memref<128x128xf32, #tpu.memory_space<vmem_shared>>) target(%dma_start3A_149 : memref<128x128xf32, #tpu.memory_space<hbm>>) target_semaphore(%arg17 : memref<!tpu.dma_semaphore, #tpu.memory_space<semaphore_mem>>)
    %add3A_152 = arith.constant 512 : i32
    %add3A_153 = arith.addi %mul3A_4, %add3A_152 : i32
    %dma_start3A_154 = arith.constant 0 : i32
    %dma_start3A_155 = tpu.memref_slice %arg5[%arg0, %add3A_153, %dma_start3A_154] : memref<2x10240x128xf32, #tpu.memory_space<hbm>> -> memref<1x128x128xf32, #tpu.memory_space<hbm>>
    %dma_start3A_156 = tpu.memref_squeeze %dma_start3A_155 : memref<1x128x128xf32, #tpu.memory_space<hbm>> -> memref<128x128xf32, #tpu.memory_space<hbm>>
    %dma_start3A_157 = arith.constant 0 : i32
    %dma_start3A_158 = tpu.memref_slice %arg16[%add3A_153, %dma_start3A_157] : memref<10240x128xf32, #tpu.memory_space<vmem_shared>> -> memref<128x128xf32, #tpu.memory_space<vmem_shared>>
    tpu.enqueue_dma source(%dma_start3A_158 : memref<128x128xf32, #tpu.memory_space<vmem_shared>>) target(%dma_start3A_156 : memref<128x128xf32, #tpu.memory_space<hbm>>) target_semaphore(%arg17 : memref<!tpu.dma_semaphore, #tpu.memory_space<semaphore_mem>>)
    %add3A_159 = arith.constant 0 : i32
    %add3A_160 = arith.addi %mul3A_4, %add3A_159 : i32
    %dma_wait3A_161 = arith.constant 0 : i32
    %dma_wait3A_162 = tpu.memref_slice %arg5[%arg0, %add3A_160, %dma_wait3A_161] : memref<2x10240x128xf32, #tpu.memory_space<hbm>> -> memref<1x128x128xf32, #tpu.memory_space<hbm>>
    %dma_wait3A_163 = tpu.memref_squeeze %dma_wait3A_162 : memref<1x128x128xf32, #tpu.memory_space<hbm>> -> memref<128x128xf32, #tpu.memory_space<hbm>>
    %dma_wait3A_164 = arith.constant 0 : i32
    %dma_wait3A_165 = tpu.memref_slice %arg16[%add3A_160, %dma_wait3A_164] : memref<10240x128xf32, #tpu.memory_space<vmem_shared>> -> memref<128x128xf32, #tpu.memory_space<vmem_shared>>
    tpu.wait_dma2 semaphore(%arg17 : memref<!tpu.dma_semaphore, #tpu.memory_space<semaphore_mem>>) src(%dma_wait3A_165 : memref<128x128xf32, #tpu.memory_space<vmem_shared>>) dst(%dma_wait3A_163 : memref<128x128xf32, #tpu.memory_space<hbm>>)
    %add3A_166 = arith.constant 128 : i32
    %add3A_167 = arith.addi %mul3A_4, %add3A_166 : i32
    %dma_wait3A_168 = arith.constant 0 : i32
    %dma_wait3A_169 = tpu.memref_slice %arg5[%arg0, %add3A_167, %dma_wait3A_168] : memref<2x10240x128xf32, #tpu.memory_space<hbm>> -> memref<1x128x128xf32, #tpu.memory_space<hbm>>
    %dma_wait3A_170 = tpu.memref_squeeze %dma_wait3A_169 : memref<1x128x128xf32, #tpu.memory_space<hbm>> -> memref<128x128xf32, #tpu.memory_space<hbm>>
    %dma_wait3A_171 = arith.constant 0 : i32
    %dma_wait3A_172 = tpu.memref_slice %arg16[%add3A_167, %dma_wait3A_171] : memref<10240x128xf32, #tpu.memory_space<vmem_shared>> -> memref<128x128xf32, #tpu.memory_space<vmem_shared>>
    tpu.wait_dma2 semaphore(%arg17 : memref<!tpu.dma_semaphore, #tpu.memory_space<semaphore_mem>>) src(%dma_wait3A_172 : memref<128x128xf32, #tpu.memory_space<vmem_shared>>) dst(%dma_wait3A_170 : memref<128x128xf32, #tpu.memory_space<hbm>>)
    %add3A_173 = arith.constant 256 : i32
    %add3A_174 = arith.addi %mul3A_4, %add3A_173 : i32
    %dma_wait3A_175 = arith.constant 0 : i32
    %dma_wait3A_176 = tpu.memref_slice %arg5[%arg0, %add3A_174, %dma_wait3A_175] : memref<2x10240x128xf32, #tpu.memory_space<hbm>> -> memref<1x128x128xf32, #tpu.memory_space<hbm>>
    %dma_wait3A_177 = tpu.memref_squeeze %dma_wait3A_176 : memref<1x128x128xf32, #tpu.memory_space<hbm>> -> memref<128x128xf32, #tpu.memory_space<hbm>>
    %dma_wait3A_178 = arith.constant 0 : i32
    %dma_wait3A_179 = tpu.memref_slice %arg16[%add3A_174, %dma_wait3A_178] : memref<10240x128xf32, #tpu.memory_space<vmem_shared>> -> memref<128x128xf32, #tpu.memory_space<vmem_shared>>
    tpu.wait_dma2 semaphore(%arg17 : memref<!tpu.dma_semaphore, #tpu.memory_space<semaphore_mem>>) src(%dma_wait3A_179 : memref<128x128xf32, #tpu.memory_space<vmem_shared>>) dst(%dma_wait3A_177 : memref<128x128xf32, #tpu.memory_space<hbm>>)
    %add3A_180 = arith.constant 384 : i32
    %add3A_181 = arith.addi %mul3A_4, %add3A_180 : i32
    %dma_wait3A_182 = arith.constant 0 : i32
    %dma_wait3A_183 = tpu.memref_slice %arg5[%arg0, %add3A_181, %dma_wait3A_182] : memref<2x10240x128xf32, #tpu.memory_space<hbm>> -> memref<1x128x128xf32, #tpu.memory_space<hbm>>
    %dma_wait3A_184 = tpu.memref_squeeze %dma_wait3A_183 : memref<1x128x128xf32, #tpu.memory_space<hbm>> -> memref<128x128xf32, #tpu.memory_space<hbm>>
    %dma_wait3A_185 = arith.constant 0 : i32
    %dma_wait3A_186 = tpu.memref_slice %arg16[%add3A_181, %dma_wait3A_185] : memref<10240x128xf32, #tpu.memory_space<vmem_shared>> -> memref<128x128xf32, #tpu.memory_space<vmem_shared>>
    tpu.wait_dma2 semaphore(%arg17 : memref<!tpu.dma_semaphore, #tpu.memory_space<semaphore_mem>>) src(%dma_wait3A_186 : memref<128x128xf32, #tpu.memory_space<vmem_shared>>) dst(%dma_wait3A_184 : memref<128x128xf32, #tpu.memory_space<hbm>>)
    %add3A_187 = arith.constant 512 : i32
    %add3A_188 = arith.addi %mul3A_4, %add3A_187 : i32
    %dma_wait3A_189 = arith.constant 0 : i32
    %dma_wait3A_190 = tpu.memref_slice %arg5[%arg0, %add3A_188, %dma_wait3A_189] : memref<2x10240x128xf32, #tpu.memory_space<hbm>> -> memref<1x128x128xf32, #tpu.memory_space<hbm>>
    %dma_wait3A_191 = tpu.memref_squeeze %dma_wait3A_190 : memref<1x128x128xf32, #tpu.memory_space<hbm>> -> memref<128x128xf32, #tpu.memory_space<hbm>>
    %dma_wait3A_192 = arith.constant 0 : i32
    %dma_wait3A_193 = tpu.memref_slice %arg16[%add3A_188, %dma_wait3A_192] : memref<10240x128xf32, #tpu.memory_space<vmem_shared>> -> memref<128x128xf32, #tpu.memory_space<vmem_shared>>
    tpu.wait_dma2 semaphore(%arg17 : memref<!tpu.dma_semaphore, #tpu.memory_space<semaphore_mem>>) src(%dma_wait3A_193 : memref<128x128xf32, #tpu.memory_space<vmem_shared>>) dst(%dma_wait3A_191 : memref<128x128xf32, #tpu.memory_space<hbm>>)
    return
  }
}

module attributes {stable_mosaic.version = 14 : i64} {
  func.func @_fc1_body(%arg0: i32, %arg1: memref<2000x128xf32, #tpu.memory_space<vmem>>, %arg2: memref<128x128xf32, #tpu.memory_space<vmem>>, %arg3: memref<1x128xf32, #tpu.memory_space<vmem>>, %arg4: memref<2000x128xf32, #tpu.memory_space<vmem>>, %arg5: memref<8x128xf32, #tpu.memory_space<vmem>>) attributes {dimension_semantics = [#tpu.dimension_semantics<arbitrary>], iteration_bounds = array<i64: 5>, scalar_prefetch = 0 : i64, scratch_operands = 0 : i64, tpu.core_type = #tpu.core_type<tc>, window_params = [{transform_indices = @transform_0, window_bounds = array<i64: 2000, 128>}, {pipeline_mode = #tpu.pipeline_mode<synchronous>, transform_indices = @transform_1, window_bounds = array<i64: 128, 128>}, {pipeline_mode = #tpu.pipeline_mode<synchronous>, transform_indices = @transform_2, window_bounds = array<i64: 1, 128>}, {transform_indices = @transform_3, window_bounds = array<i64: 2000, 128>}, {pipeline_mode = #tpu.pipeline_mode<synchronous>, transform_indices = @transform_4, window_bounds = array<i64: 8, 128>}]} {
    %get3A = arith.constant 0 : index
    %get3A_0 = arith.constant 0 : index
    %get3A_1 = vector.load %arg1[%get3A, %get3A_0] : memref<2000x128xf32, #tpu.memory_space<vmem>>, vector<2000x128xf32>
    %get3A_2 = arith.constant 0 : index
    %get3A_3 = arith.constant 0 : index
    %get3A_4 = vector.load %arg2[%get3A_2, %get3A_3] : memref<128x128xf32, #tpu.memory_space<vmem>>, vector<128x128xf32>
    %dot_general3A = arith.constant dense<0.000000e+00> : vector<2000x128xf32>
    %dot_general3A_5 = tpu.matmul %get3A_1, %get3A_4, %dot_general3A {dimension_numbers = #tpu.dot_dimension_numbers<[1], [0], [0], [1], [0, 0, 1, 1], [], []>, transpose_lhs_hint = false} : vector<2000x128xf32>, vector<128x128xf32>, vector<2000x128xf32> -> vector<2000x128xf32>
    %get3A_6 = arith.constant 0 : index
    %get3A_7 = arith.constant 0 : index
    %get3A_8 = vector.load %arg3[%get3A_6, %get3A_7] : memref<1x128xf32, #tpu.memory_space<vmem>>, vector<1x128xf32>
    %add3A = vector.broadcast %get3A_8 : vector<1x128xf32> to vector<2000x128xf32>
    %add3A_9 = arith.addf %dot_general3A_5, %add3A : vector<2000x128xf32>
    %swap3A = arith.constant 0 : index
    %swap3A_10 = arith.constant 0 : index
    %swap3A_11 = vector.load %arg4[%swap3A, %swap3A_10] : memref<2000x128xf32, #tpu.memory_space<vmem>>, vector<2000x128xf32>
    tpu.vector_store %arg4[%swap3A, %swap3A_10], %add3A_9 {strides = array<i32>} : memref<2000x128xf32, #tpu.memory_space<vmem>>, vector<2000x128xf32>,
    %eq3A = arith.constant 0 : i32
    %eq3A_12 = arith.cmpi eq, %arg0, %eq3A : i32
    %convert_element_type3A = arith.extui %eq3A_12 : i1 to i32
    %cond3A = arith.constant 0 : i32
    %cond3A_13 = arith.cmpi ne, %convert_element_type3A, %cond3A : i32
    scf.if %cond3A_13 {
      %broadcast_in_dim3A_32 = arith.constant 0.000000e+00 : f32
      %broadcast_in_dim3A_33 = vector.broadcast %broadcast_in_dim3A_32 : f32 to vector<8x128xf32>
      %swap3A_34 = arith.constant 0 : index
      %swap3A_35 = arith.constant 0 : index
      %swap3A_36 = vector.load %arg5[%swap3A_34, %swap3A_35] : memref<8x128xf32, #tpu.memory_space<vmem>>, vector<8x128xf32>
      tpu.vector_store %arg5[%swap3A_34, %swap3A_35], %broadcast_in_dim3A_33 {strides = array<i32>} : memref<8x128xf32, #tpu.memory_space<vmem>>, vector<8x128xf32>,
    } else {
    }
    %get3A_14 = arith.constant 0 : index
    %get3A_15 = arith.constant 0 : index
    %get3A_16 = vector.load %arg5[%get3A_14, %get3A_15] : memref<8x128xf32, #tpu.memory_space<vmem>>, vector<1x128xf32>
    %reduce_sum3A = arith.constant dense<0.000000e+00> : vector<128xf32>
    %reduce_sum3A_17 = vector.multi_reduction <add>, %add3A_9, %reduce_sum3A [0] : vector<2000x128xf32> to vector<128xf32>
    %broadcast_in_dim3A = vector.shape_cast %reduce_sum3A_17 : vector<128xf32> to vector<1x128xf32>
    %add3A_18 = arith.addf %get3A_16, %broadcast_in_dim3A : vector<1x128xf32>
    %swap3A_19 = arith.constant 0 : index
    %swap3A_20 = arith.constant 0 : index
    %swap3A_21 = vector.load %arg5[%swap3A_19, %swap3A_20] : memref<8x128xf32, #tpu.memory_space<vmem>>, vector<1x128xf32>
    tpu.vector_store %arg5[%swap3A_19, %swap3A_20], %add3A_18 {strides = array<i32>} : memref<8x128xf32, #tpu.memory_space<vmem>>, vector<1x128xf32>,
    %get3A_22 = arith.constant 1 : index
    %get3A_23 = arith.constant 0 : index
    %get3A_24 = vector.load %arg5[%get3A_22, %get3A_23] : memref<8x128xf32, #tpu.memory_space<vmem>>, vector<1x128xf32>
    %mul3A = arith.mulf %add3A_9, %add3A_9 : vector<2000x128xf32>
    %reduce_sum3A_25 = arith.constant dense<0.000000e+00> : vector<128xf32>
    %reduce_sum3A_26 = vector.multi_reduction <add>, %mul3A, %reduce_sum3A_25 [0] : vector<2000x128xf32> to vector<128xf32>
    %broadcast_in_dim3A_27 = vector.shape_cast %reduce_sum3A_26 : vector<128xf32> to vector<1x128xf32>
    %add3A_28 = arith.addf %get3A_24, %broadcast_in_dim3A_27 : vector<1x128xf32>
    %swap3A_29 = arith.constant 1 : index
    %swap3A_30 = arith.constant 0 : index
    %swap3A_31 = vector.load %arg5[%swap3A_29, %swap3A_30] : memref<8x128xf32, #tpu.memory_space<vmem>>, vector<1x128xf32>
    tpu.vector_store %arg5[%swap3A_29, %swap3A_30], %add3A_28 {strides = array<i32>} : memref<8x128xf32, #tpu.memory_space<vmem>>, vector<1x128xf32>,
    return
  }
  func.func @transform_0(%arg0: i32) -> (i32, i32) {
    %c0_i32 = arith.constant 0 : i32
    %c0_i32_0 = arith.constant 0 : i32
    return %arg0, %c0_i32 : i32, i32
  }
  func.func @transform_1(%arg0: i32) -> (i32, i32) {
    %c0_i32 = arith.constant 0 : i32
    %c0_i32_0 = arith.constant 0 : i32
    %c0_i32_1 = arith.constant 0 : i32
    return %c0_i32, %c0_i32_0 : i32, i32
  }
  func.func @transform_2(%arg0: i32) -> (i32, i32) {
    %c0_i32 = arith.constant 0 : i32
    %c0_i32_0 = arith.constant 0 : i32
    %c0_i32_1 = arith.constant 0 : i32
    return %c0_i32, %c0_i32_0 : i32, i32
  }
  func.func @transform_3(%arg0: i32) -> (i32, i32) {
    %c0_i32 = arith.constant 0 : i32
    %c0_i32_0 = arith.constant 0 : i32
    return %arg0, %c0_i32 : i32, i32
  }
  func.func @transform_4(%arg0: i32) -> (i32, i32) {
    %c0_i32 = arith.constant 0 : i32
    %c0_i32_0 = arith.constant 0 : i32
    %c0_i32_1 = arith.constant 0 : i32
    return %c0_i32, %c0_i32_0 : i32, i32
  }
}

module attributes {stable_mosaic.version = 14 : i64} {
  func.func @_proj_body(%arg0: i32, %arg1: memref<2000x128xf32, #tpu.memory_space<vmem>>, %arg2: memref<8x128xf32, #tpu.memory_space<vmem>>, %arg3: memref<1x128xf32, #tpu.memory_space<vmem>>, %arg4: memref<1x128xf32, #tpu.memory_space<vmem>>, %arg5: memref<128x128xf32, #tpu.memory_space<vmem>>, %arg6: memref<128x128xf32, #tpu.memory_space<vmem>>, %arg7: memref<1x128xf32, #tpu.memory_space<vmem>>, %arg8: memref<2000x128xf32, #tpu.memory_space<vmem>>, %arg9: memref<2000x128xf32, #tpu.memory_space<vmem>>) attributes {dimension_semantics = [#tpu.dimension_semantics<arbitrary>], iteration_bounds = array<i64: 5>, scalar_prefetch = 0 : i64, scratch_operands = 0 : i64, tpu.core_type = #tpu.core_type<tc>, window_params = [{transform_indices = @transform_0, window_bounds = array<i64: 2000, 128>}, {pipeline_mode = #tpu.pipeline_mode<synchronous>, transform_indices = @transform_1, window_bounds = array<i64: 8, 128>}, {pipeline_mode = #tpu.pipeline_mode<synchronous>, transform_indices = @transform_2, window_bounds = array<i64: 1, 128>}, {pipeline_mode = #tpu.pipeline_mode<synchronous>, transform_indices = @transform_3, window_bounds = array<i64: 1, 128>}, {pipeline_mode = #tpu.pipeline_mode<synchronous>, transform_indices = @transform_4, window_bounds = array<i64: 128, 128>}, {pipeline_mode = #tpu.pipeline_mode<synchronous>, transform_indices = @transform_5, window_bounds = array<i64: 128, 128>}, {pipeline_mode = #tpu.pipeline_mode<synchronous>, transform_indices = @transform_6, window_bounds = array<i64: 1, 128>}, {transform_indices = @transform_7, window_bounds = array<i64: 2000, 128>}, {transform_indices = @transform_8, window_bounds = array<i64: 2000, 128>}]} {
    %get3A = arith.constant 0 : index
    %get3A_0 = arith.constant 0 : index
    %get3A_1 = vector.load %arg2[%get3A, %get3A_0] : memref<8x128xf32, #tpu.memory_space<vmem>>, vector<8x128xf32>
    %slice3A = vector.extract_strided_slice %get3A_1 {offsets = [0, 0], sizes = [1, 128], strides = [1, 1]} : vector<8x128xf32> to vector<1x128xf32>
    %mul3A = arith.constant 9.99999974E-5 : f32
    %mul3A_2 = vector.broadcast %mul3A : f32 to vector<1x128xf32>
    %mul3A_3 = arith.mulf %slice3A, %mul3A_2 : vector<1x128xf32>
    %slice3A_4 = vector.extract_strided_slice %get3A_1 {offsets = [1, 0], sizes = [1, 128], strides = [1, 1]} : vector<8x128xf32> to vector<1x128xf32>
    %mul3A_5 = arith.constant 9.99999974E-5 : f32
    %mul3A_6 = vector.broadcast %mul3A_5 : f32 to vector<1x128xf32>
    %mul3A_7 = arith.mulf %slice3A_4, %mul3A_6 : vector<1x128xf32>
    %mul3A_8 = arith.mulf %mul3A_3, %mul3A_3 : vector<1x128xf32>
    %sub3A = arith.subf %mul3A_7, %mul3A_8 : vector<1x128xf32>
    %get3A_9 = arith.constant 0 : index
    %get3A_10 = arith.constant 0 : index
    %get3A_11 = vector.load %arg3[%get3A_9, %get3A_10] : memref<1x128xf32, #tpu.memory_space<vmem>>, vector<1x128xf32>
    %add3A = arith.constant 9.99999974E-6 : f32
    %add3A_12 = vector.broadcast %add3A : f32 to vector<1x128xf32>
    %add3A_13 = arith.addf %sub3A, %add3A_12 : vector<1x128xf32>
    %rsqrt3A = math.rsqrt %add3A_13 : vector<1x128xf32>
    %mul3A_14 = arith.mulf %get3A_11, %rsqrt3A : vector<1x128xf32>
    %get3A_15 = arith.constant 0 : index
    %get3A_16 = arith.constant 0 : index
    %get3A_17 = vector.load %arg4[%get3A_15, %get3A_16] : memref<1x128xf32, #tpu.memory_space<vmem>>, vector<1x128xf32>
    %mul3A_18 = arith.mulf %mul3A_3, %mul3A_14 : vector<1x128xf32>
    %sub3A_19 = arith.subf %get3A_17, %mul3A_18 : vector<1x128xf32>
    %get3A_20 = arith.constant 0 : index
    %get3A_21 = arith.constant 0 : index
    %get3A_22 = vector.load %arg1[%get3A_20, %get3A_21] : memref<2000x128xf32, #tpu.memory_space<vmem>>, vector<2000x128xf32>
    %mul3A_23 = vector.broadcast %mul3A_14 : vector<1x128xf32> to vector<2000x128xf32>
    %mul3A_24 = arith.mulf %get3A_22, %mul3A_23 : vector<2000x128xf32>
    %add3A_25 = vector.broadcast %sub3A_19 : vector<1x128xf32> to vector<2000x128xf32>
    %add3A_26 = arith.addf %mul3A_24, %add3A_25 : vector<2000x128xf32>
    %get3A_27 = arith.constant 0 : index
    %get3A_28 = arith.constant 0 : index
    %get3A_29 = vector.load %arg5[%get3A_27, %get3A_28] : memref<128x128xf32, #tpu.memory_space<vmem>>, vector<128x128xf32>
    %dot_general3A = arith.constant dense<0.000000e+00> : vector<2000x128xf32>
    %dot_general3A_30 = tpu.matmul %add3A_26, %get3A_29, %dot_general3A {dimension_numbers = #tpu.dot_dimension_numbers<[1], [0], [0], [1], [0, 0, 1, 1], [], []>, transpose_lhs_hint = false} : vector<2000x128xf32>, vector<128x128xf32>, vector<2000x128xf32> -> vector<2000x128xf32>
    %get3A_31 = arith.constant 0 : index
    %get3A_32 = arith.constant 0 : index
    %get3A_33 = vector.load %arg7[%get3A_31, %get3A_32] : memref<1x128xf32, #tpu.memory_space<vmem>>, vector<1x128xf32>
    %add3A_34 = vector.broadcast %get3A_33 : vector<1x128xf32> to vector<2000x128xf32>
    %add3A_35 = arith.addf %dot_general3A_30, %add3A_34 : vector<2000x128xf32>
    %swap3A = arith.constant 0 : index
    %swap3A_36 = arith.constant 0 : index
    %swap3A_37 = vector.load %arg8[%swap3A, %swap3A_36] : memref<2000x128xf32, #tpu.memory_space<vmem>>, vector<2000x128xf32>
    tpu.vector_store %arg8[%swap3A, %swap3A_36], %add3A_35 {strides = array<i32>} : memref<2000x128xf32, #tpu.memory_space<vmem>>, vector<2000x128xf32>,
    %get3A_38 = arith.constant 0 : index
    %get3A_39 = arith.constant 0 : index
    %get3A_40 = vector.load %arg6[%get3A_38, %get3A_39] : memref<128x128xf32, #tpu.memory_space<vmem>>, vector<128x128xf32>
    %dot_general3A_41 = arith.constant dense<0.000000e+00> : vector<2000x128xf32>
    %dot_general3A_42 = tpu.matmul %add3A_26, %get3A_40, %dot_general3A_41 {dimension_numbers = #tpu.dot_dimension_numbers<[1], [0], [0], [1], [0, 0, 1, 1], [], []>, transpose_lhs_hint = false} : vector<2000x128xf32>, vector<128x128xf32>, vector<2000x128xf32> -> vector<2000x128xf32>
    %swap3A_43 = arith.constant 0 : index
    %swap3A_44 = arith.constant 0 : index
    %swap3A_45 = vector.load %arg9[%swap3A_43, %swap3A_44] : memref<2000x128xf32, #tpu.memory_space<vmem>>, vector<2000x128xf32>
    tpu.vector_store %arg9[%swap3A_43, %swap3A_44], %dot_general3A_42 {strides = array<i32>} : memref<2000x128xf32, #tpu.memory_space<vmem>>, vector<2000x128xf32>,
    return
  }
  func.func @transform_0(%arg0: i32) -> (i32, i32) {
    %c0_i32 = arith.constant 0 : i32
    %c0_i32_0 = arith.constant 0 : i32
    return %arg0, %c0_i32 : i32, i32
  }
  func.func @transform_1(%arg0: i32) -> (i32, i32) {
    %c0_i32 = arith.constant 0 : i32
    %c0_i32_0 = arith.constant 0 : i32
    %c0_i32_1 = arith.constant 0 : i32
    return %c0_i32, %c0_i32_0 : i32, i32
  }
  func.func @transform_2(%arg0: i32) -> (i32, i32) {
    %c0_i32 = arith.constant 0 : i32
    %c0_i32_0 = arith.constant 0 : i32
    %c0_i32_1 = arith.constant 0 : i32
    return %c0_i32, %c0_i32_0 : i32, i32
  }
  func.func @transform_3(%arg0: i32) -> (i32, i32) {
    %c0_i32 = arith.constant 0 : i32
    %c0_i32_0 = arith.constant 0 : i32
    %c0_i32_1 = arith.constant 0 : i32
    return %c0_i32, %c0_i32_0 : i32, i32
  }
  func.func @transform_4(%arg0: i32) -> (i32, i32) {
    %c0_i32 = arith.constant 0 : i32
    %c0_i32_0 = arith.constant 0 : i32
    %c0_i32_1 = arith.constant 0 : i32
    return %c0_i32, %c0_i32_0 : i32, i32
  }
  func.func @transform_5(%arg0: i32) -> (i32, i32) {
    %c0_i32 = arith.constant 0 : i32
    %c0_i32_0 = arith.constant 0 : i32
    %c0_i32_1 = arith.constant 0 : i32
    return %c0_i32, %c0_i32_0 : i32, i32
  }
  func.func @transform_6(%arg0: i32) -> (i32, i32) {
    %c0_i32 = arith.constant 0 : i32
    %c0_i32_0 = arith.constant 0 : i32
    %c0_i32_1 = arith.constant 0 : i32
    return %c0_i32, %c0_i32_0 : i32, i32
  }
  func.func @transform_7(%arg0: i32) -> (i32, i32) {
    %c0_i32 = arith.constant 0 : i32
    %c0_i32_0 = arith.constant 0 : i32
    return %arg0, %c0_i32 : i32, i32
  }
  func.func @transform_8(%arg0: i32) -> (i32, i32) {
    %c0_i32 = arith.constant 0 : i32
    %c0_i32_0 = arith.constant 0 : i32
    return %arg0, %c0_i32 : i32, i32
  }
}

module attributes {stable_mosaic.version = 14 : i64} {
  func.func @_gc_body(%arg0: i32, %arg1: memref<2000x128xf32, #tpu.memory_space<vmem>>, %arg2: memref<1x2000x128xf32, #tpu.memory_space<vmem>>, %arg3: memref<1x2000x128xf32, #tpu.memory_space<vmem>>, %arg4: memref<128x128xf32, #tpu.memory_space<vmem>>, %arg5: memref<1x128xf32, #tpu.memory_space<vmem>>, %arg6: memref<2000x128xf32, #tpu.memory_space<vmem>>, %arg7: memref<8x128xf32, #tpu.memory_space<vmem>>) attributes {dimension_semantics = [#tpu.dimension_semantics<arbitrary>], iteration_bounds = array<i64: 5>, scalar_prefetch = 0 : i64, scratch_operands = 0 : i64, tpu.core_type = #tpu.core_type<tc>, window_params = [{transform_indices = @transform_0, window_bounds = array<i64: 2000, 128>}, {transform_indices = @transform_1, window_bounds = array<i64: 1, 2000, 128>}, {transform_indices = @transform_2, window_bounds = array<i64: 1, 2000, 128>}, {pipeline_mode = #tpu.pipeline_mode<synchronous>, transform_indices = @transform_3, window_bounds = array<i64: 128, 128>}, {pipeline_mode = #tpu.pipeline_mode<synchronous>, transform_indices = @transform_4, window_bounds = array<i64: 1, 128>}, {transform_indices = @transform_5, window_bounds = array<i64: 2000, 128>}, {pipeline_mode = #tpu.pipeline_mode<synchronous>, transform_indices = @transform_6, window_bounds = array<i64: 8, 128>}]} {
    %get3A = arith.constant 0 : index
    %get3A_0 = arith.constant 0 : index
    %get3A_1 = vector.load %arg1[%get3A, %get3A_0] : memref<2000x128xf32, #tpu.memory_space<vmem>>, vector<2000x128xf32>
    %get3A_2 = arith.constant 0 : index
    %get3A_3 = arith.constant 0 : index
    %get3A_4 = arith.constant 0 : index
    %get3A_5 = vector.load %arg2[%get3A_2, %get3A_3, %get3A_4] : memref<1x2000x128xf32, #tpu.memory_space<vmem>>, vector<1x2000x128xf32>
    %get3A_6 = vector.shape_cast %get3A_5 : vector<1x2000x128xf32> to vector<2000x128xf32>
    %add3A = arith.addf %get3A_1, %get3A_6 : vector<2000x128xf32>
    %get3A_7 = arith.constant 0 : index
    %get3A_8 = arith.constant 0 : index
    %get3A_9 = arith.constant 0 : index
    %get3A_10 = vector.load %arg3[%get3A_7, %get3A_8, %get3A_9] : memref<1x2000x128xf32, #tpu.memory_space<vmem>>, vector<1x2000x128xf32>
    %get3A_11 = vector.shape_cast %get3A_10 : vector<1x2000x128xf32> to vector<2000x128xf32>
    %add3A_12 = arith.addf %add3A, %get3A_11 : vector<2000x128xf32>
    %mul3A = arith.constant 5.000000e-01 : f32
    %mul3A_13 = vector.broadcast %mul3A : f32 to vector<2000x128xf32>
    %mul3A_14 = arith.mulf %add3A_12, %mul3A_13 : vector<2000x128xf32>
    %mul3A_15 = arith.constant 0.707106769 : f32
    %mul3A_16 = vector.broadcast %mul3A_15 : f32 to vector<2000x128xf32>
    %mul3A_17 = arith.mulf %add3A_12, %mul3A_16 : vector<2000x128xf32>
    %erf3A = math.erf %mul3A_17 : vector<2000x128xf32>
    %add3A_18 = arith.constant 1.000000e+00 : f32
    %add3A_19 = vector.broadcast %add3A_18 : f32 to vector<2000x128xf32>
    %add3A_20 = arith.addf %add3A_19, %erf3A : vector<2000x128xf32>
    %mul3A_21 = arith.mulf %mul3A_14, %add3A_20 : vector<2000x128xf32>
    %get3A_22 = arith.constant 0 : index
    %get3A_23 = arith.constant 0 : index
    %get3A_24 = vector.load %arg4[%get3A_22, %get3A_23] : memref<128x128xf32, #tpu.memory_space<vmem>>, vector<128x128xf32>
    %dot_general3A = arith.constant dense<0.000000e+00> : vector<2000x128xf32>
    %dot_general3A_25 = tpu.matmul %mul3A_21, %get3A_24, %dot_general3A {dimension_numbers = #tpu.dot_dimension_numbers<[1], [0], [0], [1], [0, 0, 1, 1], [], []>, transpose_lhs_hint = false} : vector<2000x128xf32>, vector<128x128xf32>, vector<2000x128xf32> -> vector<2000x128xf32>
    %get3A_26 = arith.constant 0 : index
    %get3A_27 = arith.constant 0 : index
    %get3A_28 = vector.load %arg5[%get3A_26, %get3A_27] : memref<1x128xf32, #tpu.memory_space<vmem>>, vector<1x128xf32>
    %add3A_29 = vector.broadcast %get3A_28 : vector<1x128xf32> to vector<2000x128xf32>
    %add3A_30 = arith.addf %dot_general3A_25, %add3A_29 : vector<2000x128xf32>
    %swap3A = arith.constant 0 : index
    %swap3A_31 = arith.constant 0 : index
    %swap3A_32 = vector.load %arg6[%swap3A, %swap3A_31] : memref<2000x128xf32, #tpu.memory_space<vmem>>, vector<2000x128xf32>
    tpu.vector_store %arg6[%swap3A, %swap3A_31], %add3A_30 {strides = array<i32>} : memref<2000x128xf32, #tpu.memory_space<vmem>>, vector<2000x128xf32>,
    %eq3A = arith.constant 0 : i32
    %eq3A_33 = arith.cmpi eq, %arg0, %eq3A : i32
    %convert_element_type3A = arith.extui %eq3A_33 : i1 to i32
    %cond3A = arith.constant 0 : i32
    %cond3A_34 = arith.cmpi ne, %convert_element_type3A, %cond3A : i32
    scf.if %cond3A_34 {
      %broadcast_in_dim3A_54 = arith.constant 0.000000e+00 : f32
      %broadcast_in_dim3A_55 = vector.broadcast %broadcast_in_dim3A_54 : f32 to vector<8x128xf32>
      %swap3A_56 = arith.constant 0 : index
      %swap3A_57 = arith.constant 0 : index
      %swap3A_58 = vector.load %arg7[%swap3A_56, %swap3A_57] : memref<8x128xf32, #tpu.memory_space<vmem>>, vector<8x128xf32>
      tpu.vector_store %arg7[%swap3A_56, %swap3A_57], %broadcast_in_dim3A_55 {strides = array<i32>} : memref<8x128xf32, #tpu.memory_space<vmem>>, vector<8x128xf32>,
    } else {
    }
    %get3A_35 = arith.constant 0 : index
    %get3A_36 = arith.constant 0 : index
    %get3A_37 = vector.load %arg7[%get3A_35, %get3A_36] : memref<8x128xf32, #tpu.memory_space<vmem>>, vector<1x128xf32>
    %reduce_sum3A = arith.constant dense<0.000000e+00> : vector<128xf32>
    %reduce_sum3A_38 = vector.multi_reduction <add>, %add3A_30, %reduce_sum3A [0] : vector<2000x128xf32> to vector<128xf32>
    %broadcast_in_dim3A = vector.shape_cast %reduce_sum3A_38 : vector<128xf32> to vector<1x128xf32>
    %add3A_39 = arith.addf %get3A_37, %broadcast_in_dim3A : vector<1x128xf32>
    %swap3A_40 = arith.constant 0 : index
    %swap3A_41 = arith.constant 0 : index
    %swap3A_42 = vector.load %arg7[%swap3A_40, %swap3A_41] : memref<8x128xf32, #tpu.memory_space<vmem>>, vector<1x128xf32>
    tpu.vector_store %arg7[%swap3A_40, %swap3A_41], %add3A_39 {strides = array<i32>} : memref<8x128xf32, #tpu.memory_space<vmem>>, vector<1x128xf32>,
    %get3A_43 = arith.constant 1 : index
    %get3A_44 = arith.constant 0 : index
    %get3A_45 = vector.load %arg7[%get3A_43, %get3A_44] : memref<8x128xf32, #tpu.memory_space<vmem>>, vector<1x128xf32>
    %mul3A_46 = arith.mulf %add3A_30, %add3A_30 : vector<2000x128xf32>
    %reduce_sum3A_47 = arith.constant dense<0.000000e+00> : vector<128xf32>
    %reduce_sum3A_48 = vector.multi_reduction <add>, %mul3A_46, %reduce_sum3A_47 [0] : vector<2000x128xf32> to vector<128xf32>
    %broadcast_in_dim3A_49 = vector.shape_cast %reduce_sum3A_48 : vector<128xf32> to vector<1x128xf32>
    %add3A_50 = arith.addf %get3A_45, %broadcast_in_dim3A_49 : vector<1x128xf32>
    %swap3A_51 = arith.constant 1 : index
    %swap3A_52 = arith.constant 0 : index
    %swap3A_53 = vector.load %arg7[%swap3A_51, %swap3A_52] : memref<8x128xf32, #tpu.memory_space<vmem>>, vector<1x128xf32>
    tpu.vector_store %arg7[%swap3A_51, %swap3A_52], %add3A_50 {strides = array<i32>} : memref<8x128xf32, #tpu.memory_space<vmem>>, vector<1x128xf32>,
    return
  }
  func.func @transform_0(%arg0: i32) -> (i32, i32) {
    %c0_i32 = arith.constant 0 : i32
    %c0_i32_0 = arith.constant 0 : i32
    return %arg0, %c0_i32 : i32, i32
  }
  func.func @transform_1(%arg0: i32) -> (i32, i32, i32) {
    %c0_i32 = arith.constant 0 : i32
    %c0_i32_0 = arith.constant 0 : i32
    %c0_i32_1 = arith.constant 0 : i32
    return %c0_i32, %arg0, %c0_i32_0 : i32, i32, i32
  }
  func.func @transform_2(%arg0: i32) -> (i32, i32, i32) {
    %c1_i32 = arith.constant 1 : i32
    %c0_i32 = arith.constant 0 : i32
    %c0_i32_0 = arith.constant 0 : i32
    return %c1_i32, %arg0, %c0_i32 : i32, i32, i32
  }
  func.func @transform_3(%arg0: i32) -> (i32, i32) {
    %c0_i32 = arith.constant 0 : i32
    %c0_i32_0 = arith.constant 0 : i32
    %c0_i32_1 = arith.constant 0 : i32
    return %c0_i32, %c0_i32_0 : i32, i32
  }
  func.func @transform_4(%arg0: i32) -> (i32, i32) {
    %c0_i32 = arith.constant 0 : i32
    %c0_i32_0 = arith.constant 0 : i32
    %c0_i32_1 = arith.constant 0 : i32
    return %c0_i32, %c0_i32_0 : i32, i32
  }
  func.func @transform_5(%arg0: i32) -> (i32, i32) {
    %c0_i32 = arith.constant 0 : i32
    %c0_i32_0 = arith.constant 0 : i32
    return %arg0, %c0_i32 : i32, i32
  }
  func.func @transform_6(%arg0: i32) -> (i32, i32) {
    %c0_i32 = arith.constant 0 : i32
    %c0_i32_0 = arith.constant 0 : i32
    %c0_i32_1 = arith.constant 0 : i32
    return %c0_i32, %c0_i32_0 : i32, i32
  }
}

module attributes {stable_mosaic.version = 14 : i64} {
  func.func @_fin_body(%arg0: i32, %arg1: memref<2000x128xf32, #tpu.memory_space<vmem>>, %arg2: memref<8x128xf32, #tpu.memory_space<vmem>>, %arg3: memref<1x128xf32, #tpu.memory_space<vmem>>, %arg4: memref<1x128xf32, #tpu.memory_space<vmem>>, %arg5: memref<2000x128xf32, #tpu.memory_space<vmem>>, %arg6: memref<2000x128xf32, #tpu.memory_space<vmem>>) attributes {dimension_semantics = [#tpu.dimension_semantics<arbitrary>], iteration_bounds = array<i64: 5>, scalar_prefetch = 0 : i64, scratch_operands = 0 : i64, tpu.core_type = #tpu.core_type<tc>, window_params = [{transform_indices = @transform_0, window_bounds = array<i64: 2000, 128>}, {pipeline_mode = #tpu.pipeline_mode<synchronous>, transform_indices = @transform_1, window_bounds = array<i64: 8, 128>}, {pipeline_mode = #tpu.pipeline_mode<synchronous>, transform_indices = @transform_2, window_bounds = array<i64: 1, 128>}, {pipeline_mode = #tpu.pipeline_mode<synchronous>, transform_indices = @transform_3, window_bounds = array<i64: 1, 128>}, {transform_indices = @transform_4, window_bounds = array<i64: 2000, 128>}, {transform_indices = @transform_5, window_bounds = array<i64: 2000, 128>}]} {
    %get3A = arith.constant 0 : index
    %get3A_0 = arith.constant 0 : index
    %get3A_1 = vector.load %arg2[%get3A, %get3A_0] : memref<8x128xf32, #tpu.memory_space<vmem>>, vector<8x128xf32>
    %slice3A = vector.extract_strided_slice %get3A_1 {offsets = [0, 0], sizes = [1, 128], strides = [1, 1]} : vector<8x128xf32> to vector<1x128xf32>
    %mul3A = arith.constant 9.99999974E-5 : f32
    %mul3A_2 = vector.broadcast %mul3A : f32 to vector<1x128xf32>
    %mul3A_3 = arith.mulf %slice3A, %mul3A_2 : vector<1x128xf32>
    %slice3A_4 = vector.extract_strided_slice %get3A_1 {offsets = [1, 0], sizes = [1, 128], strides = [1, 1]} : vector<8x128xf32> to vector<1x128xf32>
    %mul3A_5 = arith.constant 9.99999974E-5 : f32
    %mul3A_6 = vector.broadcast %mul3A_5 : f32 to vector<1x128xf32>
    %mul3A_7 = arith.mulf %slice3A_4, %mul3A_6 : vector<1x128xf32>
    %mul3A_8 = arith.mulf %mul3A_3, %mul3A_3 : vector<1x128xf32>
    %sub3A = arith.subf %mul3A_7, %mul3A_8 : vector<1x128xf32>
    %get3A_9 = arith.constant 0 : index
    %get3A_10 = arith.constant 0 : index
    %get3A_11 = vector.load %arg3[%get3A_9, %get3A_10] : memref<1x128xf32, #tpu.memory_space<vmem>>, vector<1x128xf32>
    %add3A = arith.constant 9.99999974E-6 : f32
    %add3A_12 = vector.broadcast %add3A : f32 to vector<1x128xf32>
    %add3A_13 = arith.addf %sub3A, %add3A_12 : vector<1x128xf32>
    %rsqrt3A = math.rsqrt %add3A_13 : vector<1x128xf32>
    %mul3A_14 = arith.mulf %get3A_11, %rsqrt3A : vector<1x128xf32>
    %get3A_15 = arith.constant 0 : index
    %get3A_16 = arith.constant 0 : index
    %get3A_17 = vector.load %arg4[%get3A_15, %get3A_16] : memref<1x128xf32, #tpu.memory_space<vmem>>, vector<1x128xf32>
    %mul3A_18 = arith.mulf %mul3A_3, %mul3A_14 : vector<1x128xf32>
    %sub3A_19 = arith.subf %get3A_17, %mul3A_18 : vector<1x128xf32>
    %get3A_20 = arith.constant 0 : index
    %get3A_21 = arith.constant 0 : index
    %get3A_22 = vector.load %arg1[%get3A_20, %get3A_21] : memref<2000x128xf32, #tpu.memory_space<vmem>>, vector<2000x128xf32>
    %mul3A_23 = vector.broadcast %mul3A_14 : vector<1x128xf32> to vector<2000x128xf32>
    %mul3A_24 = arith.mulf %get3A_22, %mul3A_23 : vector<2000x128xf32>
    %add3A_25 = vector.broadcast %sub3A_19 : vector<1x128xf32> to vector<2000x128xf32>
    %add3A_26 = arith.addf %mul3A_24, %add3A_25 : vector<2000x128xf32>
    %get3A_27 = arith.constant 0 : index
    %get3A_28 = arith.constant 0 : index
    %get3A_29 = vector.load %arg5[%get3A_27, %get3A_28] : memref<2000x128xf32, #tpu.memory_space<vmem>>, vector<2000x128xf32>
    %add3A_30 = arith.addf %add3A_26, %get3A_29 : vector<2000x128xf32>
    %swap3A = arith.constant 0 : index
    %swap3A_31 = arith.constant 0 : index
    %swap3A_32 = vector.load %arg6[%swap3A, %swap3A_31] : memref<2000x128xf32, #tpu.memory_space<vmem>>, vector<2000x128xf32>
    tpu.vector_store %arg6[%swap3A, %swap3A_31], %add3A_30 {strides = array<i32>} : memref<2000x128xf32, #tpu.memory_space<vmem>>, vector<2000x128xf32>,
    return
  }
  func.func @transform_0(%arg0: i32) -> (i32, i32) {
    %c0_i32 = arith.constant 0 : i32
    %c0_i32_0 = arith.constant 0 : i32
    return %arg0, %c0_i32 : i32, i32
  }
  func.func @transform_1(%arg0: i32) -> (i32, i32) {
    %c0_i32 = arith.constant 0 : i32
    %c0_i32_0 = arith.constant 0 : i32
    %c0_i32_1 = arith.constant 0 : i32
    return %c0_i32, %c0_i32_0 : i32, i32
  }
  func.func @transform_2(%arg0: i32) -> (i32, i32) {
    %c0_i32 = arith.constant 0 : i32
    %c0_i32_0 = arith.constant 0 : i32
    %c0_i32_1 = arith.constant 0 : i32
    return %c0_i32, %c0_i32_0 : i32, i32
  }
  func.func @transform_3(%arg0: i32) -> (i32, i32) {
    %c0_i32 = arith.constant 0 : i32
    %c0_i32_0 = arith.constant 0 : i32
    %c0_i32_1 = arith.constant 0 : i32
    return %c0_i32, %c0_i32_0 : i32, i32
  }
  func.func @transform_4(%arg0: i32) -> (i32, i32) {
    %c0_i32 = arith.constant 0 : i32
    %c0_i32_0 = arith.constant 0 : i32
    return %arg0, %c0_i32 : i32, i32
  }
  func.func @transform_5(%arg0: i32) -> (i32, i32) {
    %c0_i32 = arith.constant 0 : i32
    %c0_i32_0 = arith.constant 0 : i32
    return %arg0, %c0_i32 : i32, i32
  }
}

</mosaic_0001>

<sc_bundles>
// kernel: kernel.7.cloned.1.call-start
scs
__scs_entry_jumppad:
0x0: {  	(pc) =	sbr.rel $0x88, $3  }
0x1: {  	(tag) =	ssettag $0x0;
	lr =	simm.s32 $0x1  }
0x2: {  	[smem:$0x3F94] =	sst lr;
	_ =	strace $0xD0000000  }
0x3: {  	_ = 	snop  }
0x4: {  	_ = 	snop  }
0x5: {  	_ = 	snop  }
0x6: {  	_ = 	snop  }
0x7: {  	_ = 	snop  }
__scs_overlays_trampoline_lowered:
0x8: {  	[smem:$0x3FA3] =	sst s0  }
0x9: {  	[smem:$0x3FA4] =	sst s1  }
0xa: {  	[smem:$0x3FA5] =	sst s2  }
0xb: {  	[smem:$0x3FA6] =	sst s3  }
0xc: {  	[smem:$0x3FA7] =	sst s4  }
0xd: {  	[smem:$0x3FA8] =	sst s5  }
0xe: {  	[smem:$0x3FA9] =	sst s6  }
0xf: {  	[smem:$0x3FAA] =	sst s7  }
0x10: {  	[smem:$0x3FAB] =	sst s8  }
0x11: {  	[smem:$0x3FAC] =	sst s9;
	s0 =	simm.s32 @!p0 $0x0  }
0x12: {  	s1 =	sld [smem:$0x3F92];
	s0 =	simm.s32 @p0 $0x1  }
0x13: {  	[smem:$0x3FAD] =	sst s0;
	s0 =	simm.s32 @!p1 $0x0  }
0x14: {  	s2 =	sld [smem:$0x3F91];
	s0 =	simm.s32 @p1 $0x1  }
0x15: {  	[smem:$0x3FAE] =	sst s0;
	s0 =	simm.s32 @!p2 $0x0  }
0x16: {  	s3 =	sld [smem:$0x3FDB];
	s0 =	simm.s32 @p2 $0x1  }
0x17: {  	s4 =	simm.s32 $0x1BF5;
	[smem:$0x3FB0] =	sst s0  }
0x18: {  	s0 =	sld [smem:$0x3F93];
	_ =	swait.ge [sflag:s4], $0x0  }
0x19: {  	s7 =	sld [smem:$0x3F94]  }
0x1a: {  	s8 =	sadd.s32 $0xFFFFE003, lr  }
0x1b: {  	s9 =	sadd.s32 $0xFFFFFEF7, lr;
	s5 =	simm.s32 $0xFFFFFFFF;
	p2 =	slt.u32 s8, $0xFFFFF086  }
0x1c: {  	p1 =	slt.u32 s9, $0xF7A;
	s5 =	simm.s32 @!p2 $0x0  }
0x1d: {  	s5 =	simm.s32 @p1 $0x1;
	p0 =	seq.s32 s7, s2  }
0x1e: {  	s7 =	smul.u32 @!p0 $0xF7A, s2;
	p2 =	seq.s32 @!p0 s5, $0x0  }
0x1f: {  	s9 =	smul.u32 $0xF7A, s1;
	s8 =	simm.s32 @!p0 $0x1BF5;
	p2 =	por !p2, p0  }
0x20: {  	[sflag:s8] =	ssyncset.s32 @!p0 $0xFFFFF086;
	s6 =	sadd.s32 @!p0 s3, s7;
	s7 =	simm.s32 @!p0 $0x108  }
0x21: {  	s3 =	sadd.s32 s3, s9;
	s6 =	sadd.s32 @!p0 $0x88, s6;
	s7 =	simm.s32 @p2 $0x1082  }
0x22: {  	[simem:s7], [sflag:s8] =	dma.local @!p0 [hbm:s6], $0xF7A  }
0x23: {  	s9 =	sor.u32 $0xD0000000, s2;
	s6 =	simm.s32 $0x108;
	_ =	swait.ge @!p0 [sflag:s8], $0x0  }
0x24: {  	s3 =	sadd.s32 $0x88, s3;
	s6 =	simm.s32 @!p1 $0x1082;
	[sflag:s4] =	ssyncset.s32 $0xFFFFF086  }
0x25: {  	[simem:s6], [sflag:s4] =	dma.local [hbm:s3], $0xF7A  }
0x26: {  	[smem:$0x3F94] =	sst s1;
	(tag) =	ssettag s2;
	_ =	strace s9  }
0x27: {  	s1 =	sld [smem:$0x3FA4]  }
0x28: {  	s2 =	sld [smem:$0x3FA5]  }
0x29: {  	s4 =	sld [smem:$0x3FA7]  }
0x2a: {  	p0 =	seq.s32 s5, $0x0;
	s5 =	sld [smem:$0x3FA8]  }
0x2b: {  	s6 =	sld [smem:$0x3FA9]  }
0x2c: {  	s7 =	sld [smem:$0x3FAA]  }
0x2d: {  	s3 =	simm.s32 $0x108;
	s8 =	sld [smem:$0x3FAB]  }
0x2e: {  	s3 =	simm.s32 @!p0 $0x1082;
	s9 =	sld [smem:$0x3FAC]  }
0x2f: {  	lr =	sadd.s32 s0, s3;
	s0 =	sld [smem:$0x3FA3]  }
0x30: {  	s3 =	sld [smem:$0x3FA6]  }
0x31: {  	[smem:$0x3FAF] =	sst s10  }
0x32: {  	s10 =	sld [smem:$0x3FAD];
	_ =	sdelay $0x3  }
0x33: {  	p0 =	seq.s32 s10, $0x1;
	s10 =	sld [smem:$0x3FAF];
	_ =	sdelay $0x3  }
0x34: {  	[smem:$0x3FAF] =	sst s10  }
0x35: {  	s10 =	sld [smem:$0x3FAE];
	_ =	sdelay $0x3  }
0x36: {  	p1 =	seq.s32 s10, $0x1;
	s10 =	sld [smem:$0x3FAF];
	_ =	sdelay $0x3  }
0x37: {  	[smem:$0x3FAF] =	sst s10  }
0x38: {  	s10 =	sld [smem:$0x3FB0]  }
0x39: {  	_ = 	snop;
	(pc) =	sbr.ind lr, $3  }
0x3a: {  	_ = 	snop  }
0x3b: {  	_ = 	snop  }
0x3c: {  	p2 =	seq.s32 s10, $0x1;
	s10 =	sld [smem:$0x3FAF]  }
0x3d: {  	_ =	shalt  }
0x3e: {  	_ =	shalt  }
0x3f: {  	_ =	shalt  }
0x40: {  	_ =	shalt  }
0x41: {  	_ =	shalt  }
0x42: {  	_ =	shalt  }
0x43: {  	_ =	shalt  }
0x44: {  	_ =	shalt  }
0x45: {  	_ =	shalt  }
0x46: {  	_ =	shalt  }
0x47: {  	_ =	shalt  }
0x48: {  	_ =	shalt  }
0x49: {  	_ =	shalt  }
0x4a: {  	_ =	shalt  }
0x4b: {  	_ =	shalt  }
0x4c: {  	_ =	shalt  }
0x4d: {  	_ =	shalt  }
0x4e: {  	_ =	shalt  }
0x4f: {  	_ =	shalt  }
0x50: {  	_ =	shalt  }
0x51: {  	_ =	shalt  }
0x52: {  	_ =	shalt  }
0x53: {  	_ =	shalt  }
0x54: {  	_ =	shalt  }
0x55: {  	_ =	shalt  }
0x56: {  	_ =	shalt  }
0x57: {  	_ =	shalt  }
0x58: {  	_ =	shalt  }
0x59: {  	_ =	shalt  }
0x5a: {  	_ =	shalt  }
0x5b: {  	_ =	shalt  }
0x5c: {  	_ =	shalt  }
0x5d: {  	_ =	shalt  }
0x5e: {  	_ =	shalt  }
0x5f: {  	_ =	shalt  }
0x60: {  	_ =	shalt  }
0x61: {  	_ =	shalt  }
0x62: {  	_ =	shalt  }
0x63: {  	_ =	shalt  }
0x64: {  	_ =	shalt  }
0x65: {  	_ =	shalt  }
0x66: {  	_ =	shalt  }
0x67: {  	_ =	shalt  }
0x68: {  	_ =	shalt  }
0x69: {  	_ =	shalt  }
0x6a: {  	_ =	shalt  }
0x6b: {  	_ =	shalt  }
0x6c: {  	_ =	shalt  }
0x6d: {  	_ =	shalt  }
0x6e: {  	_ =	shalt  }
0x6f: {  	_ =	shalt  }
0x70: {  	_ =	shalt  }
0x71: {  	_ =	shalt  }
0x72: {  	_ =	shalt  }
0x73: {  	_ =	shalt  }
0x74: {  	_ =	shalt  }
0x75: {  	_ =	shalt  }
0x76: {  	_ =	shalt  }
0x77: {  	_ =	shalt  }
0x78: {  	_ =	shalt  }
0x79: {  	_ =	shalt  }
0x7a: {  	_ =	shalt  }
0x7b: {  	_ =	shalt  }
0x7c: {  	_ =	shalt  }
0x7d: {  	_ =	shalt  }
0x7e: {  	_ =	shalt  }
0x7f: {  	_ =	shalt  }
0x80: {  	_ =	shalt  }
0x81: {  	_ =	shalt  }
0x82: {  	_ =	shalt  }
0x83: {  	_ =	shalt  }
0x84: {  	_ =	shalt  }
0x85: {  	_ =	shalt  }
0x86: {  	_ =	shalt  }
0x87: {  	_ =	shalt  }
.Lfunc_end0:
.L_simem_size_0:
called_computation_lowered:
.L_overlay_start_0:
0x88: {  	s2 =	sld [smem:$0x3FD9]  }
0x89: {  	s3 =	sld [smem:$0x3FFE];
	_ =	sdelay $0x1  }
0x8a: {  	s1 =	srdreg.scid  }
0x8b: {  	s0 =	sand.u32 $0x1, s1  }
0x8c: {  	s17 =	sshll.u32 s0, $0xA;
	s2 =	sadd.s32 s3, s2  }
0x8d: {  	s2 =	sadd.s32 s2, s17  }
0x8e: {  	[smem:$0x3FBB] =	sst s2  }
0x8f: {  	_ = 	snop  }
0x90: {  	s2 =	sld [smem:$0x3FD0];
	(tm) =	ssettm $0x1  }
0x91: {  	s18 =	sld [smem:$0x3FFB];
	_ =	sdelay $0x3  }
0x92: {  	_ =	strace s18  }
0x93: {  	s3 =	sld [smem:$0x3FFC];
	_ =	sdelay $0x3  }
0x94: {  	_ =	strace s3  }
0x95: {  	s3 =	sld [smem:$0x3FFD];
	_ =	sdelay $0x3  }
0x96: {  	_ =	strace s3  }
0x97: {  	_ =	strace $0x8FFFFFFF  }
0x98: {  	s19 =	sld [smem:$0x3FDB];
	_ =	sdelay $0x1  }
0x99: {  	s4 =	simm.s32 $_scs_section_size  }
0x9a: {  	s5 =	simm.s32 $_size__tile_overlayer_lowered;
	s6 =	simm.s32 $_tile_overlayer_lowered  }
0x9b: {  	s22 =	simm.s32 $0x1BFF;
	s21 =	sshll.u32 s6, $0x1;
	s3 =	sadd.s32 s4, s19  }
0x9c: {  	s7 =	simm.s32 $0x0;
	s20 =	sshll.u32 s5, $0x1;
	s5 =	sadd.s32 s21, s3  }
0x9d: {  	[timem:s7], [sflag:s22] =	dma.local [hbm:s5], s20  }
0x9e: {  	_ =	swait.ge [sflag:s22], s20  }
0x9f: {  	s4 =	ssub.s32 $0x0, s20;
	[sflag:s22] =	ssyncset.done $0x0  }
0xa0: {  	[sflag:s22] =	ssyncadd.s32 s4;
	_ =	sdelay $0x1  }
0xa1: {  	s23 =	simm.s32 $0x1B8B  }
0xa2: {  	_ =	swait.ge [sflag:s23], $0x1  }
0xa3: {  	[sflag:s23] =	ssyncset.done $0x0  }
0xa4: {  	s25 =	simm.s32 $0x1B8E;
	s24 =	sld [smem:$0x3FFE];
	[sflag:s23] =	ssyncadd.s32 $0xFFFFFFFF  }
0xa5: {  	s26 =	simm.s32 $execute0_lowered;
	[smem:$0x3FD2] =	sst s25  }
0xa6: {  	s5 =	sshll.u32 s26, $0x1;
	_ =	strace $0x80000046;
	[dreg:$0x1] =	wrdreg $0xFFFFFFFF  }
0xa7: {  	s28 =	simm.s32 $_size_execute0_lowered;
	s3 =	sadd.s32 s3, s5;
	[dreg:$0x0] =	wrdreg $0x0  }
0xa8: {  	s5 =	sshll.u32 s28, $0x1;
	[dreg:$0x2] =	wrdreg s3  }
0xa9: {  	[dreg:$0x3] =	wrdreg s5  }
0xaa: {  	[dreg:$0x4] =	wrdreg $0xC0  }
0xab: {  	_ =	task [dreg:s7], $0x5FFFF  }
0xac: {  	[dreg:$0x1] =	wrdreg $0xFFFFFFFF  }
0xad: {  	[dreg:$0x0] =	wrdreg $0x60  }
0xae: {  	[dreg:$0x2] =	wrdreg s2  }
0xaf: {  	[dreg:$0x3] =	wrdreg s24  }
0xb0: {  	[dreg:$0x4] =	wrdreg $0x84000  }
0xb1: {  	[dreg:$0x5] =	wrdreg $0x9  }
0xb2: {  	_ =	task.clear_ibuf [dreg:s7], $0x6FFFF;
	_ =	strace $0x90000046  }
0xb3: {  	s29 =	simm.s32 $0x9;
	_ =	strace $0x80000048  }
0xb4: {  	_ =	swait.ge [sflag:s29], $0x1  }
0xb5: {  	[sflag:s29] =	ssyncadd.s32 $0xFFFFFFFF  }
0xb6: {  	_ =	strace $0x90000048  }
0xb7: {  	_ =	sfence  }
0xb8: {  	s30 =	sld [smem:$0x0];
	_ =	sdelay $0x2  }
0xb9: {  	s31 =	sshll.u32 s1, $0xD;
	s1 =	sshrl.u32 s1, $0x2  }
0xba: {  	s3 =	sand.u32 $0x4000, s31;
	s1 =	sadd.s32 s1, s30  }
0xbb: {  	s0 =	sor.u32 s3, s0;
	s1 =	sshll.u32 s1, $0x11  }
0xbc: {  	s0 =	sor.u32 s1, s0  }
0xbd: {  	s0 =	sadd.s32 $0x8F2B, s0  }
0xbe: {  	[sflag:s0] =	ssyncadd.remote.s32 $0x1  }
0xbf: {  	_ =	sfence.sel $0xFFFF  }
0xc0: {  	[dreg:$0x0] =	wrdreg $0xFFFFFFFF;
	(pc) =	sbr.abs _section_cstart, $3  }
0xc1: {  	[dreg:$0x1] =	wrdreg $0xFFFFFFFF  }
0xc2: {  	_ =	task.clear_ibuf [dreg:s7], $0x2FFFF;
	_ =	strace $0x9FFFFFFF  }
0xc3: {  	(tm) =	ssettm $0x7FFFFFFF  }
tec
execute0_lowered:
.L_overlay_start_1:
0x0: {  	(tag) =	ssettag $0x1  }
0x1: {  	s1 =	rddreg [dreg:$0x0]  }
0x2: {  	s0 =	srdreg.scid;
	s4 =	rddreg [dreg:$0x1]  }
0x3: {  	s10 =	stileid.u32;
	s3 =	rddreg [dreg:$0x2]  }
0x4: {  	s28 =	simm.s32 $0x100;
	s30 =	simm.s32 $0x3;
	s31 =	simm.s32 $0x400  }
0x5: {  	s29 =	simm.s32 $0x4400;
	s0 =	sand.u32 $0x1, s0;
	s5 =	sadd.s32 $0xBE00, s4  }
0x6: {  	s7 =	sadd.s32 $0x1E00, s4;
	s4 =	sadd.s32 $0x15E00, s4;
	s13 =	smul.u32 $0x14000, s10  }
0x7: {  	s2 =	sshll.u32 s0, $0x4;
	s6 =	ssub.s32 $0x2, s0;
	s14 =	smul.u32 $0x140000, s0  }
0x8: {  	s0 =	smul.u32 $0x28000, s0;
	s2 =	sor.u32 s10, s2;
	s8 =	sshrl.u32 s6, $0x1  }
0x9: {  	s22 =	sadd.s32 $0x8000, s13;
	s23 =	sadd.s32 $0xC000, s13;
	s2 =	smul.u32 $0x2800, s2  }
0xa: {  	s24 =	sadd.s32 $0x10000, s13;
	s6 =	ssub.s32 s6, s8;
	s18 =	sadd.s32 s14, s22  }
0xb: {  	s20 =	sadd.s32 s14, s24;
	s22 =	sadd.s32 s22, s3;
	s2 =	sshrl.u32 s2, $0x3  }
0xc: {  	s24 =	sadd.s32 s24, s3;
	s21 =	sshrl.u32 s20, $0x3;
	s9 =	sadd.s32 s5, s2  }
0xd: {  	s25 =	sor.u32 $0x10, s2;
	s26 =	sadd.s32 s7, s2;
	[dreg:$0x4] =	wrdreg s9  }
0xe: {  	s12 =	sor.u32 $0x20, s2;
	[dreg:$0x5] =	wrdreg s26;
	s11 =	sadd.s32 s5, s25  }
0xf: {  	s2 =	sor.u32 $0x30, s2;
	s8 =	sadd.s32 s7, s25;
	[dreg:$0x6] =	wrdreg s11  }
0x10: {  	s15 =	sadd.s32 s5, s2;
	s9 =	sadd.s32 s13, s14;
	[dreg:$0x7] =	wrdreg s8  }
0x11: {  	s25 =	smul.u32 $0x50000, s10;
	s11 =	sadd.s32 s5, s12;
	[dreg:$0xa] =	wrdreg s15  }
0x12: {  	s8 =	sadd.s32 s7, s12;
	s9 =	sshrl.u32 s9, $0x3;
	[dreg:$0x8] =	wrdreg s11  }
0x13: {  	s15 =	sadd.s32 s14, s23;
	s23 =	sadd.s32 s23, s3;
	[dreg:$0x9] =	wrdreg s8  }
0x14: {  	s8 =	sadd.s32 $0x4000, s13;
	s13 =	smul.u32 $0x2800, s10;
	s9 =	sadd.s32 s4, s9  }
0x15: {  	s19 =	sshrl.u32 s15, $0x3;
	s15 =	sadd.s32 s4, s21;
	s26 =	sshrl.u32 s25, $0x2  }
0x16: {  	s25 =	smax.u32 s6, $0x1;
	s6 =	simm.s32 $0x4;
	s16 =	sadd.s32 s14, s8  }
0x17: {  	[dreg:$0xb] =	wrdreg s9;
	s9 =	sshrl.u32 s18, $0x3;
	s18 =	simm.s32 $0x0  }
0x18: {  	s20 =	sadd.s32 s26, s3;
	s21 =	sadd.s32 s8, s3;
	s26 =	simm.s32 $0x80  }
0x19: {  	s12 =	sshrl.u32 s16, $0x3;
	s0 =	sadd.s32 s13, s0;
	s9 =	sadd.s32 s4, s9  }
0x1a: {  	s16 =	sadd.s32 s7, s2;
	[smem:$0x7FF] =	sst s18;
	s2 =	simm.s32 $0x380  }
.Ltmp0:
0x1b: {  	s17 =	sadd.s32 s4, s12;
	[dreg:$0xd] =	wrdreg s9;
	(pc) =	sbr.rel .LBB2_1-.Ltmp0, $4  }
0x1c: {  	s9 =	sadd.s32 s4, s19;
	s0 =	sor.u32 $0x200, s0;
	[dreg:$0xc] =	wrdreg s17  }
0x1d: {  	s4 =	simm.s32 $0x2;
	[dreg:$0xe] =	wrdreg s9;
	s0 =	sshrl.u32 s0, $0x3  }
0x1e: {  	s17 =	sadd.s32 s0, s5;
	s19 =	sadd.s32 s0, s7;
	_ =	strace $0x80000047  }
0x1f: {  	v0 =	vimm.f32 $0.0e+00;
	s0 =	simm.s32 $0x280;
	s5 =	simm.s32 $0x1;
	s7 =	simm.s32 $0x0  }
.LBB2_6:
0x20: {  	_ =	swait.ge [sflag:s4], $0x4000  }
0x21: {  	[sflag:s4] =	ssyncset.done $0x0  }
0x22: {  	[sflag:s4] =	ssyncadd.s32 $0xFFFFC000  }
0x23: {  	[spmem:s3] =	stream.indirect.scatter.add.f32 [tilespmem:s29], [sflag:$0x4], $0x80, s2, s26, $0xb8;
	[tilespmem:$0x1C400] =	vst v63  }
0x24: {  	_ =	swait.ge [sflag:s6], $0x4000  }
0x25: {  	[sflag:s6] =	ssyncset.done $0x0  }
0x26: {  	[sflag:s6] =	ssyncadd.s32 $0xFFFFC000  }
.LBB2_9:
0x27: {  	s8 =	stileid.u32  }
0x28: {  	[bflag:$0x0] =	sbarrier.arrive $0xFFFF;
	s8 =	sshll.u32 s8, $0x6  }
0x29: {  	s9 =	sshrl.u32 s20, $0x3;
	s10 =	rddreg [dreg:$0xb];
	s8 =	sor.u32 $0x1C01, s8  }
0x2a: {  	[hbm:s10], [sflag:s8] =	dma.local [spmem:s9], $0x800  }
0x2b: {  	s11 =	sshrl.u32 s21, $0x3;
	s10 =	rddreg [dreg:$0xc]  }
0x2c: {  	[hbm:s10], [sflag:s8] =	dma.local [spmem:s11], $0x800  }
0x2d: {  	s12 =	sshrl.u32 s22, $0x3;
	s10 =	rddreg [dreg:$0xd]  }
0x2e: {  	[hbm:s10], [sflag:s8] =	dma.local [spmem:s12], $0x800  }
0x2f: {  	s13 =	sshrl.u32 s23, $0x3;
	s14 =	sshrl.u32 s24, $0x3;
	s10 =	rddreg [dreg:$0xe]  }
0x30: {  	[hbm:s10], [sflag:s8] =	dma.local [spmem:s13], $0x800  }
0x31: {  	[hbm:s15], [sflag:s8] =	dma.local [spmem:s14], $0x800  }
0x32: {  	_ =	swait.ge [sflag:s5], $0x800  }
0x33: {  	[sflag:s5] =	ssyncset.done $0x0  }
0x34: {  	[sflag:s5] =	ssyncadd.s32 $0xFFFFF800  }
0x35: {  	_ =	swait.ge [sflag:s5], $0x800  }
0x36: {  	[sflag:s5] =	ssyncset.done $0x0  }
0x37: {  	[sflag:s5] =	ssyncadd.s32 $0xFFFFF800  }
0x38: {  	_ =	swait.ge [sflag:s5], $0x800  }
0x39: {  	[sflag:s5] =	ssyncset.done $0x0  }
0x3a: {  	s7 =	sadd.s32 $0x1, s7;
	[sflag:s5] =	ssyncadd.s32 $0xFFFFF800  }
0x3b: {  	p0 =	sne.s32 s7, s25;
	_ =	swait.ge [sflag:s5], $0x800  }
.Ltmp1:
0x3c: {  	[sflag:s5] =	ssyncset.done $0x0;
	(pc) =	sbr.rel @!p0 .LBB2_10-.Ltmp1, $4  }
0x3d: {  	[sflag:s5] =	ssyncadd.s32 $0xFFFFF800  }
0x3e: {  	_ =	swait.ge [sflag:s5], $0x800  }
0x3f: {  	[sflag:s5] =	ssyncset.done $0x0  }
0x40: {  	[sflag:s5] =	ssyncadd.s32 $0xFFFFF800  }
.LBB2_1:
0x41: {  	s8 =	rddreg [dreg:$0x4]  }
0x42: {  	[tilespmem:s18], [sflag:$0x3] =	stream.linear.gather [hbm4b:s8+s18], $0x80, $0x38;
	[tilespmem:$0x1C400] =	vst v63  }
0x43: {  	s12 =	rddreg [dreg:$0x5]  }
0x44: {  	[tilespmem:s26], [sflag:$0x3] =	stream.linear.gather [hbm4b:s12+s18], $0x80, $0x38;
	[tilespmem:$0x1C400] =	vst v63  }
0x45: {  	s13 =	rddreg [dreg:$0x6]  }
0x46: {  	[tilespmem:s28], [sflag:$0x3] =	stream.linear.gather [hbm4b:s13+s18], $0x80, $0x38;
	[tilespmem:$0x1C400] =	vst v63  }
0x47: {  	s14 =	rddreg [dreg:$0x7];
	s9 =	simm.s32 $0x180  }
0x48: {  	[tilespmem:s9], [sflag:$0x3] =	stream.linear.gather [hbm4b:s14+s18], $0x80, $0x38;
	[tilespmem:$0x1C400] =	vst v63  }
0x49: {  	s8 =	simm.s32 $0x0;
	s9 =	simm.s32 $0x200  }
.LBB2_2:
0x4a: {  	p0 =	sne.s32 s9, $0xFE00;
	[tilespmem:s8+$0x4470] =	vst v0  }
0x4b: {  	[tilespmem:s8+$0x4400] =	vst v0  }
0x4c: {  	[tilespmem:s8+$0x4410] =	vst v0  }
.Ltmp2:
0x4d: {  	[tilespmem:s8+$0x4420] =	vst v0;
	(pc) =	sbr.rel @p0 .LBB2_2-.Ltmp2, $4  }
0x4e: {  	[tilespmem:s8+$0x4430] =	vst v0  }
0x4f: {  	[tilespmem:s8+$0x4440] =	vst v0  }
0x50: {  	[tilespmem:s8+$0x4450] =	vst v0  }
0x51: {  	[tilespmem:s8+$0x4460] =	vst v0;
	s8 =	sshra.s32 s9, $0x2;
	s9 =	sadd.s32 $0x200, s9  }
0x52: {  	[tilespmem:s8+$0x4470] =	vst v0  }
0x53: {  	[tilespmem:s8+$0x4400] =	vst v0  }
0x54: {  	[tilespmem:s8+$0x4410] =	vst v0  }
0x55: {  	[tilespmem:s8+$0x4420] =	vst v0  }
0x56: {  	[tilespmem:s8+$0x4430] =	vst v0  }
0x57: {  	[tilespmem:s8+$0x4440] =	vst v0  }
0x58: {  	[tilespmem:s8+$0x4450] =	vst v0  }
0x59: {  	[tilespmem:s8+$0x4460] =	vst v0  }
0x5a: {  	_ =	swait.ge [sflag:s30], $0x80  }
0x5b: {  	[sflag:s30] =	ssyncset.done $0x0  }
0x5c: {  	[sflag:s30] =	ssyncadd.s32 $0xFFFFFF80  }
0x5d: {  	_ =	swait.ge [sflag:s30], $0x80  }
0x5e: {  	[sflag:s30] =	ssyncset.done $0x0  }
0x5f: {  	[sflag:s30] =	ssyncadd.s32 $0xFFFFFF80  }
0x60: {  	_ =	swait.ge [sflag:s30], $0x80  }
0x61: {  	[sflag:s30] =	ssyncset.done $0x0  }
0x62: {  	[sflag:s30] =	ssyncadd.s32 $0xFFFFFF80  }
0x63: {  	_ =	swait.ge [sflag:s30], $0x80  }
0x64: {  	[sflag:s30] =	ssyncset.done $0x0  }
0x65: {  	s8 =	simm.s32 $0x0;
	[sflag:s30] =	ssyncadd.s32 $0xFFFFFF80  }
0x66: {  	[tilespmem:s31], [sflag:$0x1] =	stream.indirect.gather [hbm4b:s1+s26], $0x80, s8, s26, $0xb8;
	[tilespmem:$0x1C400] =	vst v63  }
0x67: {  	s10 =	simm.s32 $0x200;
	s9 =	rddreg [dreg:$0x8]  }
0x68: {  	[tilespmem:s10], [sflag:$0x3] =	stream.linear.gather [hbm4b:s9+s8], $0x80, $0x38;
	[tilespmem:$0x1C400] =	vst v63  }
0x69: {  	s12 =	rddreg [dreg:$0x9]  }
0x6a: {  	[tilespmem:s0], [sflag:$0x3] =	stream.linear.gather [hbm4b:s12+s8], $0x80, $0x38;
	[tilespmem:$0x1C400] =	vst v63  }
0x6b: {  	s14 =	simm.s32 $0x300;
	s13 =	rddreg [dreg:$0xa]  }
0x6c: {  	[tilespmem:s14], [sflag:$0x3] =	stream.linear.gather [hbm4b:s13+s8], $0x80, $0x38;
	[tilespmem:$0x1C400] =	vst v63  }
0x6d: {  	_ = 	snop  }
0x6e: {  	[tilespmem:s2], [sflag:$0x3] =	stream.linear.gather [hbm4b:s16+s8], $0x80, $0x38;
	[tilespmem:$0x1C400] =	vst v63  }
0x6f: {  	_ = 	snop  }
0x70: {  	[spmem:s20] =	stream.linear.scatter [tilespmem:s29], [sflag:$0x2], $0x4000, $0x38;
	[tilespmem:$0x1C400] =	vst v63  }
0x71: {  	_ = 	snop  }
0x72: {  	[spmem:s21] =	stream.linear.scatter [tilespmem:s29], [sflag:$0x2], $0x4000, $0x38;
	[tilespmem:$0x1C400] =	vst v63  }
0x73: {  	_ = 	snop  }
0x74: {  	[spmem:s22] =	stream.linear.scatter [tilespmem:s29], [sflag:$0x2], $0x4000, $0x38;
	[tilespmem:$0x1C400] =	vst v63  }
0x75: {  	_ = 	snop  }
0x76: {  	[spmem:s23] =	stream.linear.scatter [tilespmem:s29], [sflag:$0x2], $0x4000, $0x38;
	[tilespmem:$0x1C400] =	vst v63  }
0x77: {  	_ = 	snop  }
0x78: {  	[spmem:s24] =	stream.linear.scatter [tilespmem:s29], [sflag:$0x2], $0x4000, $0x38;
	[tilespmem:$0x1C400] =	vst v63  }
0x79: {  	_ =	swait.ge [sflag:s4], $0x4000  }
0x7a: {  	[sflag:s4] =	ssyncset.done $0x0  }
0x7b: {  	[sflag:s4] =	ssyncadd.s32 $0xFFFFC000  }
0x7c: {  	_ =	swait.ge [sflag:s4], $0x4000  }
0x7d: {  	[sflag:s4] =	ssyncset.done $0x0  }
0x7e: {  	[sflag:s4] =	ssyncadd.s32 $0xFFFFC000  }
0x7f: {  	_ =	swait.ge [sflag:s4], $0x4000  }
0x80: {  	[sflag:s4] =	ssyncset.done $0x0  }
0x81: {  	[sflag:s4] =	ssyncadd.s32 $0xFFFFC000  }
0x82: {  	_ =	swait.ge [sflag:s4], $0x4000  }
0x83: {  	[sflag:s4] =	ssyncset.done $0x0  }
0x84: {  	[sflag:s4] =	ssyncadd.s32 $0xFFFFC000  }
.Ltmp3:
0x85: {  	_ =	swait.ge [sflag:s4], $0x4000;
	(pc) =	sbr.rel .LBB2_4-.Ltmp3, $4  }
0x86: {  	[sflag:s4] =	ssyncset.done $0x0  }
0x87: {  	[sflag:s4] =	ssyncadd.s32 $0xFFFFC000  }
0x88: {  	s9 =	simm.s32 $0x0;
	[bflag:$0x0] =	sbarrier.arrive $0xFFFF  }
0x89: {  	[tilespmem:s29], [sflag:$0x2] =	stream.indirect.gather [hbm4b:s1+s26], $0x80, s28, s26, $0xb8;
	[tilespmem:$0x1C400] =	vst v63  }
.LBB2_8:
0x8a: {  	s8 =	sadd.s32 $0x20, s8  }
0x8b: {  	p0 =	sne.s32 s8, $0x500  }
.Ltmp4:
0x8c: {  	_ = 	snop;
	(pc) =	sbr.rel @!p0 .LBB2_9-.Ltmp4, $2  }
0x8d: {  	_ =	sdelay $0x2  }
0x8e: {  	s9 =	sadd.s32 $0x1, s9  }
.LBB2_4:
0x8f: {  	s10 =	sand.u32 $0x1, s9  }
0x90: {  	p0 =	seq.s32 s10, $0x1  }
0x91: {  	s11 =	simm.s32 @!p0 $0x1  }
0x92: {  	_ =	swait.ge @!p0 [sflag:s11], $0x4000  }
0x93: {  	s12 =	simm.s32 @!p0 $0x400;
	[sflag:s11] =	ssyncset.done @!p0 $0x0  }
0x94: {  	s13 =	simm.s32 @!p0 $0x4;
	[sflag:s11] =	ssyncadd.s32 @!p0 $0xFFFFC000;
	s11 =	simm.s32 @!p0 $0x80  }
0x95: {  	[spmem:s3] =	stream.indirect.scatter.add.f32 @!p0 [tilespmem:s12], [sflag:$0x4], $0x80, s11, s11, $0xb8;
	[tilespmem:$0x1C400] =	vst v63  }
0x96: {  	_ =	swait.ge @!p0 [sflag:s13], $0x4000  }
0x97: {  	[sflag:s13] =	ssyncset.done @!p0 $0x0  }
0x98: {  	s14 =	simm.s32 @!p0 $0x3;
	[sflag:s13] =	ssyncadd.s32 @!p0 $0xFFFFC000  }
0x99: {  	_ =	swait.ge @!p0 [sflag:s14], $0x80  }
0x9a: {  	[sflag:s14] =	ssyncset.done @!p0 $0x0  }
0x9b: {  	[sflag:s14] =	ssyncadd.s32 @!p0 $0xFFFFFF80  }
0x9c: {  	_ =	swait.ge @!p0 [sflag:s14], $0x80  }
0x9d: {  	[sflag:s14] =	ssyncset.done @!p0 $0x0  }
0x9e: {  	[sflag:s14] =	ssyncadd.s32 @!p0 $0xFFFFFF80  }
0x9f: {  	_ =	swait.ge @!p0 [sflag:s14], $0x80  }
0xa0: {  	[sflag:s14] =	ssyncset.done @!p0 $0x0  }
0xa1: {  	[sflag:s14] =	ssyncadd.s32 @!p0 $0xFFFFFF80  }
0xa2: {  	_ =	swait.ge @!p0 [sflag:s14], $0x80  }
0xa3: {  	[sflag:s14] =	ssyncset.done @!p0 $0x0  }
0xa4: {  	[sflag:s14] =	ssyncadd.s32 @!p0 $0xFFFFFF80;
	s14 =	simm.s32 @!p0 $0x200  }
0xa5: {  	[tilespmem:s12], [sflag:$0x1] =	stream.indirect.gather @!p0 [hbm4b:s1+s11], $0x80, s14, s11, $0xb8;
	[tilespmem:$0x1C400] =	vst v63  }
0xa6: {  	s12 =	simm.s32 @!p0 $0x2  }
0xa7: {  	_ =	swait.ge @!p0 [sflag:s12], $0x4000  }
0xa8: {  	[sflag:s12] =	ssyncset.done @!p0 $0x0  }
0xa9: {  	s14 =	simm.s32 @!p0 $0x4400;
	[sflag:s12] =	ssyncadd.s32 @!p0 $0xFFFFC000;
	s12 =	simm.s32 @!p0 $0x180  }
0xaa: {  	[spmem:s3] =	stream.indirect.scatter.add.f32 @!p0 [tilespmem:s14], [sflag:$0x4], $0x80, s12, s11, $0xb8;
	[tilespmem:$0x1C400] =	vst v63  }
0xab: {  	_ =	swait.ge @!p0 [sflag:s13], $0x4000  }
0xac: {  	p1 =	sgt.u32 @!p0 s9, $0x25;
	[sflag:s13] =	ssyncset.done @!p0 $0x0  }
0xad: {  	p1 =	por p1, p0;
	s12 =	simm.s32 @!p0 $0x300;
	[sflag:s13] =	ssyncadd.s32 @!p0 $0xFFFFC000  }
0xae: {  	[tilespmem:s14], [sflag:$0x2] =	stream.indirect.gather @!p0 [hbm4b:s1+s11], $0x80, s12, s11, $0xb8;
	[tilespmem:$0x1C400] =	vst v63  }
0xaf: {  	s11 =	sadd.s32 @!p1 s8, s17;
	s12 =	simm.s32 @!p1 $0x0  }
0xb0: {  	[tilespmem:s12], [sflag:$0x3] =	stream.linear.gather @!p1 [hbm4b:s11+s12], $0x80, $0x38;
	[tilespmem:$0x1C400] =	vst v63  }
0xb1: {  	s13 =	sadd.s32 @!p1 s8, s19;
	s14 =	simm.s32 @!p1 $0x80  }
0xb2: {  	[tilespmem:s14], [sflag:$0x3] =	stream.linear.gather @!p1 [hbm4b:s13+s12], $0x80, $0x38;
	[tilespmem:$0x1C400] =	vst v63  }
0xb3: {  	s11 =	sadd.s32 @!p1 $0x10, s11;
	s14 =	simm.s32 @!p1 $0x100  }
0xb4: {  	[tilespmem:s14], [sflag:$0x3] =	stream.linear.gather @!p1 [hbm4b:s11+s12], $0x80, $0x38;
	[tilespmem:$0x1C400] =	vst v63  }
0xb5: {  	s11 =	sadd.s32 @!p1 $0x10, s13;
	s13 =	simm.s32 @!p1 $0x180  }
0xb6: {  	[tilespmem:s13], [sflag:$0x3] =	stream.linear.gather @!p1 [hbm4b:s11+s12], $0x80, $0x38;
	[tilespmem:$0x1C400] =	vst v63  }
0xb7: {  	p1 =	seq.s32 @!p0 s10, $0x0  }
0xb8: {  	p0 =	por p0, !p1  }
.Ltmp5:
0xb9: {  	_ = 	snop;
	(pc) =	sbr.rel @!p0 .LBB2_8-.Ltmp5, $1  }
0xba: {  	_ =	sdelay $0x3  }
0xbb: {  	_ =	swait.ge [sflag:s5], $0x4000  }
0xbc: {  	p0 =	sne.s32 s8, $0x4E0;
	[sflag:s5] =	ssyncset.done $0x0  }
.Ltmp6:
0xbd: {  	[sflag:s5] =	ssyncadd.s32 $0xFFFFC000;
	(pc) =	sbr.rel @!p0 .LBB2_6-.Ltmp6, $4  }
0xbe: {  	[spmem:s3] =	stream.indirect.scatter.add.f32 [tilespmem:s31], [sflag:$0x4], $0x80, s0, s26, $0xb8;
	[tilespmem:$0x1C400] =	vst v63  }
0xbf: {  	_ =	swait.ge [sflag:s6], $0x4000  }
0xc0: {  	[sflag:s6] =	ssyncset.done $0x0  }
0xc1: {  	[sflag:s6] =	ssyncadd.s32 $0xFFFFC000  }
0xc2: {  	_ =	swait.ge [sflag:s30], $0x80  }
0xc3: {  	[sflag:s30] =	ssyncset.done $0x0  }
0xc4: {  	[sflag:s30] =	ssyncadd.s32 $0xFFFFFF80  }
0xc5: {  	_ =	swait.ge [sflag:s30], $0x80  }
0xc6: {  	[sflag:s30] =	ssyncset.done $0x0  }
0xc7: {  	[sflag:s30] =	ssyncadd.s32 $0xFFFFFF80  }
0xc8: {  	_ =	swait.ge [sflag:s30], $0x80  }
0xc9: {  	[sflag:s30] =	ssyncset.done $0x0  }
0xca: {  	[sflag:s30] =	ssyncadd.s32 $0xFFFFFF80  }
0xcb: {  	_ =	swait.ge [sflag:s30], $0x80  }
0xcc: {  	[sflag:s30] =	ssyncset.done $0x0  }
0xcd: {  	[sflag:s30] =	ssyncadd.s32 $0xFFFFFF80  }
0xce: {  	[tilespmem:s31], [sflag:$0x1] =	stream.indirect.gather [hbm4b:s1+s26], $0x80, s18, s26, $0xb8;
	[tilespmem:$0x1C400] =	vst v63  }
0xcf: {  	_ =	swait.ge [sflag:s4], $0x4000  }
0xd0: {  	[sflag:s4] =	ssyncset.done $0x0  }
0xd1: {  	[sflag:s4] =	ssyncadd.s32 $0xFFFFC000  }
0xd2: {  	[spmem:s3] =	stream.indirect.scatter.add.f32 [tilespmem:s29], [sflag:$0x4], $0x80, s2, s26, $0xb8;
	[tilespmem:$0x1C400] =	vst v63  }
0xd3: {  	_ =	swait.ge [sflag:s6], $0x4000  }
0xd4: {  	[sflag:s6] =	ssyncset.done $0x0  }
0xd5: {  	p0 =	sgt.u32 s9, $0x25;
	[sflag:s6] =	ssyncadd.s32 $0xFFFFC000  }
0xd6: {  	[tilespmem:s29], [sflag:$0x2] =	stream.indirect.gather [hbm4b:s1+s26], $0x80, s28, s26, $0xb8;
	[tilespmem:$0x1C400] =	vst v63  }
0xd7: {  	s10 =	sadd.s32 @!p0 s8, s17;
	s11 =	simm.s32 @!p0 $0x0;
	s12 =	simm.s32 @!p0 $0x200  }
0xd8: {  	[tilespmem:s12], [sflag:$0x3] =	stream.linear.gather @!p0 [hbm4b:s10+s11], $0x80, $0x38;
	[tilespmem:$0x1C400] =	vst v63  }
0xd9: {  	s13 =	simm.s32 @!p0 $0x280;
	s12 =	sadd.s32 @!p0 s8, s19  }
0xda: {  	[tilespmem:s13], [sflag:$0x3] =	stream.linear.gather @!p0 [hbm4b:s12+s11], $0x80, $0x38;
	[tilespmem:$0x1C400] =	vst v63  }
.Ltmp7:
0xdb: {  	_ = 	snop;
	(pc) =	sbr.rel .LBB2_8-.Ltmp7, $4  }
0xdc: {  	s10 =	sadd.s32 @!p0 $0x10, s10;
	s13 =	simm.s32 @!p0 $0x300  }
0xdd: {  	[tilespmem:s13], [sflag:$0x3] =	stream.linear.gather @!p0 [hbm4b:s10+s11], $0x80, $0x38;
	[tilespmem:$0x1C400] =	vst v63  }
0xde: {  	s10 =	sadd.s32 @!p0 $0x10, s12;
	s12 =	simm.s32 @!p0 $0x380  }
0xdf: {  	[tilespmem:s12], [sflag:$0x3] =	stream.linear.gather @!p0 [hbm4b:s10+s11], $0x80, $0x38;
	[tilespmem:$0x1C400] =	vst v63  }
.LBB2_10:
0xe0: {  	_ =	sfence.sel $0x180000  }
0xe1: {  	[bflag:$0x0] =	sbarrier.arrive $0xFFFF  }
0xe2: {  	_ =	strace $0x90000047  }
0xe3: {  	s0 =	stileid.u32;
	[bflag:$0x2] =	sbarrier.arrive $0xFFFF  }
0xe4: {  	p0 =	sne.s32 s0, $0x0;
	s0 =	rddreg [dreg:$0x3]  }
0xe5: {  	s0 =	sadd.s32 @!p0 $0x100000, s0  }
0xe6: {  	[sflag:s0] =	ssyncadd.tile.s32 @!p0 $0x1;
	_ =	shalt  }
.Lfunc_end2:
_tile_overlayer_lowered:
.L_overlay_start_2:
0xe7: {  	(tag) =	ssettag $0x2  }
0xe8: {  	s0 =	rddreg [dreg:$0x0];
	s2 =	stileid.u32  }
0xe9: {  	s1 =	rddreg [dreg:$0x1];
	p0 =	sne.s32 s2, $0x0  }
0xea: {  	s3 =	rddreg [dreg:$0x2];
	[bflag:$0x3] =	sbarrier.arrive $0xFFFF;
	s2 =	simm.s32 @!p0 $0x1C04  }
0xeb: {  	[timem:s3], [sflag:s2] =	dma.local @!p0 [hbm:s0], s1  }
0xec: {  	s0 =	simm.s32 @!p0 $0x4  }
0xed: {  	_ =	swait.ge @!p0 [sflag:s0], s1  }
0xee: {  	s1 =	ssub.s32 @!p0 $0x0, s1;
	[sflag:s0] =	ssyncset.done @!p0 $0x0  }
0xef: {  	[sflag:s0] =	ssyncadd.s32 @!p0 s1  }
0xf0: {  	[bflag:$0x3] =	sbarrier.arrive $0xFFFF  }
0xf1: {  	_ =	shalt  }

</sc_bundles>
